<compile_context>
chip_gen: v7x
topology: tpu7x:2x2x1
jax: 0.10.2.dev20260603
libtpu: 0.0.44.dev20260713+nightly
codegen_flags: <defaults>
</compile_context>

<pallas_src>
import functools

import jax
import jax.numpy as jnp
from jax import lax
from jax.experimental import pallas as pl
from jax.experimental.pallas import tpu as pltpu
from jax.experimental.pallas import tpu_sc as plsc

B, A, C = 32, 8732, 81
TAL = 8832
NA = (A + TAL - 1) // TAL
A2 = NA * TAL
LANES = 16
NCHUNK = A2 // LANES
_AUXW = 128
A4 = A * 4
NR4 = (A4 + 127) // 128
A4P = NR4 * 128
PAD = A2 - A



def _tc_body(cls_ref, tgt_ref, lp_ref, lt_ref, tgt4_ref, negce_ref,
             stats_ref):
    i = pl.program_id(1)

    @pl.when(i == 0)
    def _init():
        d = lp_ref[0] - lt_ref[0]
        ad = jnp.abs(d)
        sl1 = jnp.where(ad < 1.0, 0.5 * ad * ad, ad - 0.5)
        loc_blk = jnp.sum(jnp.where(tgt4_ref[0] > 0, sl1, 0.0))
        lane0 = lax.broadcasted_iota(jnp.int32, (1, 1, _AUXW), 2)
        stats_ref[...] = jnp.where(lane0 == 2, loc_blk, 0.0)

    xnat = cls_ref[0]
    ii = lax.broadcasted_iota(jnp.int32, (C, C), 0)
    jj = lax.broadcasted_iota(jnp.int32, (C, C), 1)
    eye = jnp.where(ii == jj, 1.0, 0.0)
    x = lax.dot_general(eye, xnat, (((1,), (1,)), ((), ())),
                        preferred_element_type=jnp.float32,
                        precision=lax.Precision.HIGHEST)
    tgt = jnp.reshape(tgt_ref[...], (1, TAL))
    a_idx = i * TAL + lax.broadcasted_iota(jnp.int32, (1, TAL), 1)
    valid = a_idx < A

    m = jnp.max(x, axis=0, keepdims=True)
    e = jnp.exp(x - m)
    lse = m + jnp.log(jnp.sum(e, axis=0, keepdims=True))
    tcl = jnp.clip(tgt, 0, C - 1)
    cio = lax.broadcasted_iota(jnp.int32, (C, TAL), 0)
    tlogit = jnp.sum(jnp.where(cio == tcl, x, 0.0), axis=0, keepdims=True)
    ce = jnp.where(valid, lse - tlogit, 0.0)

    pos = (tgt > 0) & valid
    negv = jnp.where(pos | ~valid, -1.0, jnp.maximum(ce, 0.0))
    negce_ref[...] = jnp.reshape(negv, (1, 1, 1, TAL))

    posf = jnp.where(pos, 1.0, 0.0)
    p_blk = jnp.sum(posf)
    posce_blk = jnp.sum(jnp.where(pos, ce, 0.0))

    lane = lax.broadcasted_iota(jnp.int32, (1, 1, _AUXW), 2)
    contrib = jnp.where(lane == 0, p_blk, 0.0)
    contrib = contrib + jnp.where(lane == 1, posce_blk, 0.0)
    stats_ref[...] = stats_ref[...] + contrib


def _tc_stage(loc_preds, loc_targets, cls_preds, cls_targets):
    bh = cls_preds.shape[0]
    tgt2 = jnp.pad(cls_targets, ((0, 0), (0, PAD))).reshape(bh, NA, 1, TAL)
    pad = ((0, 0), (0, A4P - A4))
    lp4 = jnp.pad(jnp.reshape(loc_preds, (bh, A4)), pad).reshape(bh, NR4, 128)
    lt4 = jnp.pad(jnp.reshape(loc_targets, (bh, A4)), pad).reshape(
        bh, NR4, 128)
    tgt4 = jnp.pad(
        jnp.repeat(cls_targets, 4, axis=1), pad).reshape(bh, NR4, 128)
    return pl.pallas_call(
        _tc_body,
        grid=(bh, NA),
        in_specs=[
            pl.BlockSpec((1, TAL, C), lambda b, i: (b, i, 0)),
            pl.BlockSpec((1, 1, 1, TAL), lambda b, i: (b, i, 0, 0)),
            pl.BlockSpec((1, NR4, 128), lambda b, i: (b, 0, 0)),
            pl.BlockSpec((1, NR4, 128), lambda b, i: (b, 0, 0)),
            pl.BlockSpec((1, NR4, 128), lambda b, i: (b, 0, 0)),
        ],
        out_specs=[
            pl.BlockSpec((1, 1, 1, TAL), lambda b, i: (b, i, 0, 0)),
            pl.BlockSpec((1, 1, _AUXW), lambda b, i: (b, 0, 0)),
        ],
        out_shape=[
            jax.ShapeDtypeStruct((bh, NA, 1, TAL), jnp.float32),
            jax.ShapeDtypeStruct((bh, 1, _AUXW), jnp.float32),
        ],
        compiler_params=pltpu.CompilerParams(
            dimension_semantics=("arbitrary", "arbitrary")),
    )(cls_preds, tgt2, lp4, lt4, tgt4)


def _lane_sum(vec):
    s = vec[0]
    for j in range(1, LANES):
        s = s + vec[j]
    return s


def _sc_body(negce_hbm, out_hbm, row_v, res_v):
    wid = lax.axis_index("s") * 2 + lax.axis_index("c")
    pltpu.sync_copy(negce_hbm.at[wid], row_v)

    def pass1(i, carry):
        cnt, sm, mx = carry
        v = row_v[pl.ds(i * LANES, LANES)]
        isneg = v >= 0.0
        return (cnt + jnp.where(isneg, 1.0, 0.0),
                sm + jnp.where(isneg, v, 0.0),
                jnp.maximum(mx, jnp.where(isneg, v, 0.0)))

    cnt, sm, mx = lax.fori_loop(
        0, NCHUNK, pass1,
        (jnp.zeros((LANES,), jnp.float32), jnp.zeros((LANES,), jnp.float32),
         jnp.zeros((LANES,), jnp.float32)))
    n_neg = _lane_sum(cnt)
    sum_all = _lane_sum(sm)
    hi0 = mx[0]
    for j in range(1, LANES):
        hi0 = jnp.maximum(hi0, mx[j])
    p_row = jnp.float32(A) - n_neg

    def topk_sum(kf):
        def slow():
            def count_gt(t):
                def cpass(i, c):
                    v = row_v[pl.ds(i * LANES, LANES)]
                    return c + jnp.where(v > t, 1.0, 0.0)

                return _lane_sum(lax.fori_loop(
                    0, NCHUNK, cpass, jnp.zeros((LANES,), jnp.float32)))

            def bis_step(_, carry):
                lo, hi = carry
                mid = 0.5 * (lo + hi)
                c = count_gt(mid)
                lo2 = jnp.where(c >= kf, mid, lo)
                hi2 = jnp.where(c >= kf, hi, mid)
                return (lo2, hi2)

            lo, hi = lax.fori_loop(
                0, 40, bis_step, (jnp.float32(-1.0), hi0))

            def pass2(i, carry):
                cg, sg = carry
                v = row_v[pl.ds(i * LANES, LANES)]
                gt = v > hi
                return (cg + jnp.where(gt, 1.0, 0.0),
                        sg + jnp.where(gt, v, 0.0))

            cg, sg = lax.fori_loop(
                0, NCHUNK, pass2,
                (jnp.zeros((LANES,), jnp.float32),
                 jnp.zeros((LANES,), jnp.float32)))
            sum_gt = _lane_sum(sg)
            cnt_gt = _lane_sum(cg)
            return sum_gt + (kf - cnt_gt) * hi

        return lax.cond(
            kf < 0.5,
            lambda: jnp.float32(0.0),
            lambda: lax.cond(kf >= n_neg, lambda: sum_all, slow))

    extra3 = topk_sum(3.0 * p_row)
    extra5 = topk_sum(5.0 + p_row)

    res_v[pl.ds(0, LANES)] = jnp.full((LANES,), extra3, jnp.float32)
    res_v[pl.ds(LANES, LANES)] = jnp.full((LANES,), extra5, jnp.float32)
    pltpu.sync_copy(res_v, out_hbm.at[wid])


def _sc_stage(negce):
    mesh = plsc.VectorSubcoreMesh(core_axis_name="c", subcore_axis_name="s")
    return pl.kernel(
        _sc_body,
        out_type=jax.ShapeDtypeStruct((B, 2 * LANES), jnp.float32),
        mesh=mesh,
        scratch_types=[
            pltpu.VMEM((A2,), jnp.float32),
            pltpu.VMEM((2 * LANES,), jnp.float32),
        ],
    )(negce)


def kernel(loc_preds, loc_targets, cls_preds, cls_targets):
    negce4, stats = _tc_stage(loc_preds, loc_targets, cls_preds,
                              cls_targets)
    extras = _sc_stage(jnp.reshape(negce4, (B, A2)))

    p_r = stats[:, 0, 0]
    posce = jnp.sum(stats[:, 0, 1])
    locsum = jnp.sum(stats[:, 0, 2])
    npos = jnp.sum(p_r)
    haspos = npos > 0

    extra = jnp.sum(jnp.where(haspos, extras[:, 0], extras[:, LANES]))
    cls_sum = posce + extra
    k_r = jnp.where(haspos, 3.0 * p_r, 5.0 + p_r)
    total_neg = jnp.sum(jnp.minimum(k_r, float(A)))
    denom = jnp.where(haspos, npos, total_neg)
    cls_loss = cls_sum / denom
    loc_loss = jnp.where(haspos, locsum / npos, locsum)
    return loc_loss + cls_loss

# --- scband reference (transcript-rebuilt; emitter-appended) ---
"""Pipeline reference for scband-ssdloss-82274393522335 (READ-ONLY COPY).

The authoritative reference and input builder live on the scoring server;
editing this copy changes nothing except your own understanding.
"""

import jax, jax.numpy as jnp
import numpy as np

B, A, C = 32, 8732, 81

def setup_inputs(seed: int = 0) -> dict:
    key = jax.random.key(seed)
    k1, k2, k3, k4 = jax.random.split(key, 4)
    loc_preds = jax.random.normal(k1, (B, A, 4), dtype=jnp.float32)
    loc_targets = jax.random.normal(k2, (B, A, 4), dtype=jnp.float32)
    cls_preds = jax.random.normal(k3, (B, A, C), dtype=jnp.float32)
    cls_targets = jax.random.randint(k4, (B, A), 0, C).astype(jnp.int32)
    return {"loc_preds": loc_preds, "loc_targets": loc_targets, "cls_preds": cls_preds, "cls_targets": cls_targets}

def reference(loc_preds, loc_targets, cls_preds, cls_targets):
    pos = cls_targets > 0
    # SmoothL1 (beta=1, sum reduction) over positive anchors only
    diff = loc_preds - loc_targets
    ad = jnp.abs(diff)
    sl1 = jnp.where(ad < 1.0, 0.5 * ad * ad, ad - 0.5)
    loc_loss = jnp.sum(sl1 * pos[:, :, None].astype(sl1.dtype))
    num_pos = jnp.sum(pos.astype(jnp.int32))
    # per-element cross entropy
    logp = jax.nn.log_softmax(cls_preds, axis=-1)
    safe_t = jnp.clip(cls_targets, 0, cls_preds.shape[-1] - 1)
    ce = -jnp.take_along_axis(logp, safe_t[..., None].astype(jnp.int32), axis=-1)[..., 0]
    ce = jnp.where(cls_targets < 0, 0.0, ce)
    # hard negative mining: negatives get -loss, positives get 0; ascending sort
    masked = ce * (pos.astype(ce.dtype) - 1.0)
    idx = jnp.argsort(masked, axis=1)
    rank = jnp.argsort(idx, axis=1)
    pos_per_row = jnp.sum(pos.astype(jnp.int32), axis=1)
    num_neg = jnp.where(num_pos == 0, 5 + pos_per_row, 3 * pos_per_row)
    neg = rank < num_neg[:, None]
    keep = pos | neg
    cls_sum = jnp.sum(jnp.where(keep, ce, 0.0))
    total_neg = jnp.sum(neg.astype(jnp.int32))
    denom_cls = jnp.where(num_pos > 0, num_pos, total_neg).astype(jnp.float32)
    cls_loss = cls_sum / denom_cls
    loc_loss = jnp.where(num_pos > 0, loc_loss / num_pos.astype(jnp.float32), loc_loss)
    return loc_loss + cls_loss

if __name__ == "__main__":
    import jax
    _d = setup_inputs()
    print(jax.jit(kernel)(*tuple(_d.values())))

</pallas_src>

<mosaic_0001>
#map = affine_map<(d0, d1) -> (0, 0)>
module attributes {stable_mosaic.version = 14 : i64} {
  func.func @_sc_body(%arg0: i32, %arg1: i32, %arg2: memref<32x8832xf32, #tpu.memory_space<hbm>>, %arg3: memref<32x32xf32, #tpu.memory_space<hbm>>, %arg4: memref<8832xf32, #tpu.memory_space<vmem>>, %arg5: memref<32xf32, #tpu.memory_space<vmem>>) attributes {dimension_semantics = [#tpu.dimension_semantics<core_parallel>, #tpu.dimension_semantics<subcore_parallel>], iteration_bounds = array<i64: 2, 16>, scalar_prefetch = 0 : i64, scratch_operands = 2 : i64, tpu.core_type = #tpu.core_type<sc_vector_subcore>, window_params = [{transform_indices = #map}, {transform_indices = #map}]} {
    %mul3A = arith.constant 2 : i32
    %mul3A_0 = arith.muli %arg1, %mul3A : i32
    %add3A = arith.addi %mul3A_0, %arg0 : i32
    "tpu.region"() ({
      %run_scoped3A = tpu.sem_alloc : memref<!tpu.dma_semaphore, #tpu.memory_space<semaphore_mem>>
      %dma_start3A = arith.constant 0 : i32
      %dma_start3A_172 = tpu.memref_slice %arg2[%add3A, %dma_start3A] : memref<32x8832xf32, #tpu.memory_space<hbm>> -> memref<1x8832xf32, #tpu.memory_space<hbm>>
      %dma_start3A_173 = tpu.memref_squeeze %dma_start3A_172 : memref<1x8832xf32, #tpu.memory_space<hbm>> -> memref<8832xf32, #tpu.memory_space<hbm>>
      %dma_start3A_174 = arith.constant 0 : i32
      %dma_start3A_175 = tpu.memref_slice %arg2[%add3A, %dma_start3A_174] : memref<32x8832xf32, #tpu.memory_space<hbm>> -> memref<1x8832xf32, #tpu.memory_space<hbm>>
      %dma_start3A_176 = tpu.memref_squeeze %dma_start3A_175 : memref<1x8832xf32, #tpu.memory_space<hbm>> -> memref<8832xf32, #tpu.memory_space<hbm>>
      tpu.enqueue_dma source(%dma_start3A_176 : memref<8832xf32, #tpu.memory_space<hbm>>) target(%arg4 : memref<8832xf32, #tpu.memory_space<vmem>>) target_semaphore(%run_scoped3A : memref<!tpu.dma_semaphore, #tpu.memory_space<semaphore_mem>>)
      %dma_wait3A = arith.constant 0 : i32
      %dma_wait3A_177 = tpu.memref_slice %arg2[%add3A, %dma_wait3A] : memref<32x8832xf32, #tpu.memory_space<hbm>> -> memref<1x8832xf32, #tpu.memory_space<hbm>>
      %dma_wait3A_178 = tpu.memref_squeeze %dma_wait3A_177 : memref<1x8832xf32, #tpu.memory_space<hbm>> -> memref<8832xf32, #tpu.memory_space<hbm>>
      %dma_wait3A_179 = arith.constant 0 : i32
      %dma_wait3A_180 = tpu.memref_slice %arg2[%add3A, %dma_wait3A_179] : memref<32x8832xf32, #tpu.memory_space<hbm>> -> memref<1x8832xf32, #tpu.memory_space<hbm>>
      %dma_wait3A_181 = tpu.memref_squeeze %dma_wait3A_180 : memref<1x8832xf32, #tpu.memory_space<hbm>> -> memref<8832xf32, #tpu.memory_space<hbm>>
      tpu.wait_dma2 semaphore(%run_scoped3A : memref<!tpu.dma_semaphore, #tpu.memory_space<semaphore_mem>>) src(%dma_wait3A_181 : memref<8832xf32, #tpu.memory_space<hbm>>) dst(%arg4 : memref<8832xf32, #tpu.memory_space<vmem>>)
      tpu.yield
    }) : () -> ()
    %broadcast_in_dim3A = arith.constant 0.000000e+00 : f32
    %broadcast_in_dim3A_1 = vector.broadcast %broadcast_in_dim3A : f32 to vector<16xf32>
    %broadcast_in_dim3A_2 = arith.constant 0.000000e+00 : f32
    %broadcast_in_dim3A_3 = vector.broadcast %broadcast_in_dim3A_2 : f32 to vector<16xf32>
    %broadcast_in_dim3A_4 = arith.constant 0.000000e+00 : f32
    %broadcast_in_dim3A_5 = vector.broadcast %broadcast_in_dim3A_4 : f32 to vector<16xf32>
    %scan3A = arith.constant 0 : i32
    %scan3A_6 = arith.constant 552 : i32
    %scan3A_7 = arith.addi %scan3A, %scan3A_6 : i32
    %scan3A_8 = arith.constant 1 : i32
    %scan3A_9:3 = scf.for %scan3A_172 = %scan3A to %scan3A_7 step %scan3A_8 iter_args(%scan3A_173 = %broadcast_in_dim3A_1, %scan3A_174 = %broadcast_in_dim3A_3, %scan3A_175 = %broadcast_in_dim3A_5) -> (vector<16xf32>, vector<16xf32>, vector<16xf32>)  : i32 {
      %mul3A_176 = arith.constant 16 : i32
      %mul3A_177 = arith.muli %scan3A_172, %mul3A_176 : i32
      %get3A = arith.index_cast %mul3A_177 : i32 to index
      %get3A_178 = tpu.vector_load %arg4[%get3A] {strides = array<i32>} : memref<8832xf32, #tpu.memory_space<vmem>>, vector<16xf32>,
      %get3A_179 = vector.shape_cast %get3A_178 : vector<16xf32> to vector<16xf32>
      %ge3A = arith.constant 0.000000e+00 : f32
      %ge3A_180 = vector.broadcast %ge3A : f32 to vector<16xf32>
      %ge3A_181 = arith.cmpf oge, %get3A_179, %ge3A_180 : vector<16xf32>
      %jit3A = arith.constant 1.000000e+00 : f32
      %jit3A_182 = arith.constant 0.000000e+00 : f32
      %broadcast_in_dim3A_183 = vector.broadcast %jit3A : f32 to vector<16xf32>
      %broadcast_in_dim3A_184 = vector.broadcast %jit3A_182 : f32 to vector<16xf32>
      %select_n3A = arith.select %ge3A_181, %broadcast_in_dim3A_183, %broadcast_in_dim3A_184 : vector<16xi1>, vector<16xf32>
      %add3A_185 = arith.addf %scan3A_173, %select_n3A : vector<16xf32>
      %jit3A_186 = arith.constant 0.000000e+00 : f32
      %broadcast_in_dim3A_187 = vector.broadcast %jit3A_186 : f32 to vector<16xf32>
      %select_n3A_188 = arith.select %ge3A_181, %get3A_179, %broadcast_in_dim3A_187 : vector<16xi1>, vector<16xf32>
      %add3A_189 = arith.addf %scan3A_174, %select_n3A_188 : vector<16xf32>
      %jit3A_190 = arith.constant 0.000000e+00 : f32
      %broadcast_in_dim3A_191 = vector.broadcast %jit3A_190 : f32 to vector<16xf32>
      %select_n3A_192 = arith.select %ge3A_181, %get3A_179, %broadcast_in_dim3A_191 : vector<16xi1>, vector<16xf32>
      %max3A_193 = arith.maximumf %scan3A_175, %select_n3A_192 : vector<16xf32>
      scf.yield %add3A_185, %add3A_189, %max3A_193 : vector<16xf32>, vector<16xf32>, vector<16xf32>
    }
    %scan3A_10 = arith.constant 552 : i32
    %slice3A = vector.extract_strided_slice %scan3A_9#0 {offsets = [0], sizes = [1], strides = [1]} : vector<16xf32> to vector<1xf32>
    %squeeze3A = vector.extract %slice3A[0] : f32 from vector<1xf32>
    %slice3A_11 = vector.extract_strided_slice %scan3A_9#0 {offsets = [1], sizes = [1], strides = [1]} : vector<16xf32> to vector<1xf32>
    %squeeze3A_12 = vector.extract %slice3A_11[0] : f32 from vector<1xf32>
    %add3A_13 = arith.addf %squeeze3A, %squeeze3A_12 : f32
    %slice3A_14 = vector.extract_strided_slice %scan3A_9#0 {offsets = [2], sizes = [1], strides = [1]} : vector<16xf32> to vector<1xf32>
    %squeeze3A_15 = vector.extract %slice3A_14[0] : f32 from vector<1xf32>
    %add3A_16 = arith.addf %add3A_13, %squeeze3A_15 : f32
    %slice3A_17 = vector.extract_strided_slice %scan3A_9#0 {offsets = [3], sizes = [1], strides = [1]} : vector<16xf32> to vector<1xf32>
    %squeeze3A_18 = vector.extract %slice3A_17[0] : f32 from vector<1xf32>
    %add3A_19 = arith.addf %add3A_16, %squeeze3A_18 : f32
    %slice3A_20 = vector.extract_strided_slice %scan3A_9#0 {offsets = [4], sizes = [1], strides = [1]} : vector<16xf32> to vector<1xf32>
    %squeeze3A_21 = vector.extract %slice3A_20[0] : f32 from vector<1xf32>
    %add3A_22 = arith.addf %add3A_19, %squeeze3A_21 : f32
    %slice3A_23 = vector.extract_strided_slice %scan3A_9#0 {offsets = [5], sizes = [1], strides = [1]} : vector<16xf32> to vector<1xf32>
    %squeeze3A_24 = vector.extract %slice3A_23[0] : f32 from vector<1xf32>
    %add3A_25 = arith.addf %add3A_22, %squeeze3A_24 : f32
    %slice3A_26 = vector.extract_strided_slice %scan3A_9#0 {offsets = [6], sizes = [1], strides = [1]} : vector<16xf32> to vector<1xf32>
    %squeeze3A_27 = vector.extract %slice3A_26[0] : f32 from vector<1xf32>
    %add3A_28 = arith.addf %add3A_25, %squeeze3A_27 : f32
    %slice3A_29 = vector.extract_strided_slice %scan3A_9#0 {offsets = [7], sizes = [1], strides = [1]} : vector<16xf32> to vector<1xf32>
    %squeeze3A_30 = vector.extract %slice3A_29[0] : f32 from vector<1xf32>
    %add3A_31 = arith.addf %add3A_28, %squeeze3A_30 : f32
    %slice3A_32 = vector.extract_strided_slice %scan3A_9#0 {offsets = [8], sizes = [1], strides = [1]} : vector<16xf32> to vector<1xf32>
    %squeeze3A_33 = vector.extract %slice3A_32[0] : f32 from vector<1xf32>
    %add3A_34 = arith.addf %add3A_31, %squeeze3A_33 : f32
    %slice3A_35 = vector.extract_strided_slice %scan3A_9#0 {offsets = [9], sizes = [1], strides = [1]} : vector<16xf32> to vector<1xf32>
    %squeeze3A_36 = vector.extract %slice3A_35[0] : f32 from vector<1xf32>
    %add3A_37 = arith.addf %add3A_34, %squeeze3A_36 : f32
    %slice3A_38 = vector.extract_strided_slice %scan3A_9#0 {offsets = [10], sizes = [1], strides = [1]} : vector<16xf32> to vector<1xf32>
    %squeeze3A_39 = vector.extract %slice3A_38[0] : f32 from vector<1xf32>
    %add3A_40 = arith.addf %add3A_37, %squeeze3A_39 : f32
    %slice3A_41 = vector.extract_strided_slice %scan3A_9#0 {offsets = [11], sizes = [1], strides = [1]} : vector<16xf32> to vector<1xf32>
    %squeeze3A_42 = vector.extract %slice3A_41[0] : f32 from vector<1xf32>
    %add3A_43 = arith.addf %add3A_40, %squeeze3A_42 : f32
    %slice3A_44 = vector.extract_strided_slice %scan3A_9#0 {offsets = [12], sizes = [1], strides = [1]} : vector<16xf32> to vector<1xf32>
    %squeeze3A_45 = vector.extract %slice3A_44[0] : f32 from vector<1xf32>
    %add3A_46 = arith.addf %add3A_43, %squeeze3A_45 : f32
    %slice3A_47 = vector.extract_strided_slice %scan3A_9#0 {offsets = [13], sizes = [1], strides = [1]} : vector<16xf32> to vector<1xf32>
    %squeeze3A_48 = vector.extract %slice3A_47[0] : f32 from vector<1xf32>
    %add3A_49 = arith.addf %add3A_46, %squeeze3A_48 : f32
    %slice3A_50 = vector.extract_strided_slice %scan3A_9#0 {offsets = [14], sizes = [1], strides = [1]} : vector<16xf32> to vector<1xf32>
    %squeeze3A_51 = vector.extract %slice3A_50[0] : f32 from vector<1xf32>
    %add3A_52 = arith.addf %add3A_49, %squeeze3A_51 : f32
    %slice3A_53 = vector.extract_strided_slice %scan3A_9#0 {offsets = [15], sizes = [1], strides = [1]} : vector<16xf32> to vector<1xf32>
    %squeeze3A_54 = vector.extract %slice3A_53[0] : f32 from vector<1xf32>
    %add3A_55 = arith.addf %add3A_52, %squeeze3A_54 : f32
    %slice3A_56 = vector.extract_strided_slice %scan3A_9#1 {offsets = [0], sizes = [1], strides = [1]} : vector<16xf32> to vector<1xf32>
    %squeeze3A_57 = vector.extract %slice3A_56[0] : f32 from vector<1xf32>
    %slice3A_58 = vector.extract_strided_slice %scan3A_9#1 {offsets = [1], sizes = [1], strides = [1]} : vector<16xf32> to vector<1xf32>
    %squeeze3A_59 = vector.extract %slice3A_58[0] : f32 from vector<1xf32>
    %add3A_60 = arith.addf %squeeze3A_57, %squeeze3A_59 : f32
    %slice3A_61 = vector.extract_strided_slice %scan3A_9#1 {offsets = [2], sizes = [1], strides = [1]} : vector<16xf32> to vector<1xf32>
    %squeeze3A_62 = vector.extract %slice3A_61[0] : f32 from vector<1xf32>
    %add3A_63 = arith.addf %add3A_60, %squeeze3A_62 : f32
    %slice3A_64 = vector.extract_strided_slice %scan3A_9#1 {offsets = [3], sizes = [1], strides = [1]} : vector<16xf32> to vector<1xf32>
    %squeeze3A_65 = vector.extract %slice3A_64[0] : f32 from vector<1xf32>
    %add3A_66 = arith.addf %add3A_63, %squeeze3A_65 : f32
    %slice3A_67 = vector.extract_strided_slice %scan3A_9#1 {offsets = [4], sizes = [1], strides = [1]} : vector<16xf32> to vector<1xf32>
    %squeeze3A_68 = vector.extract %slice3A_67[0] : f32 from vector<1xf32>
    %add3A_69 = arith.addf %add3A_66, %squeeze3A_68 : f32
    %slice3A_70 = vector.extract_strided_slice %scan3A_9#1 {offsets = [5], sizes = [1], strides = [1]} : vector<16xf32> to vector<1xf32>
    %squeeze3A_71 = vector.extract %slice3A_70[0] : f32 from vector<1xf32>
    %add3A_72 = arith.addf %add3A_69, %squeeze3A_71 : f32
    %slice3A_73 = vector.extract_strided_slice %scan3A_9#1 {offsets = [6], sizes = [1], strides = [1]} : vector<16xf32> to vector<1xf32>
    %squeeze3A_74 = vector.extract %slice3A_73[0] : f32 from vector<1xf32>
    %add3A_75 = arith.addf %add3A_72, %squeeze3A_74 : f32
    %slice3A_76 = vector.extract_strided_slice %scan3A_9#1 {offsets = [7], sizes = [1], strides = [1]} : vector<16xf32> to vector<1xf32>
    %squeeze3A_77 = vector.extract %slice3A_76[0] : f32 from vector<1xf32>
    %add3A_78 = arith.addf %add3A_75, %squeeze3A_77 : f32
    %slice3A_79 = vector.extract_strided_slice %scan3A_9#1 {offsets = [8], sizes = [1], strides = [1]} : vector<16xf32> to vector<1xf32>
    %squeeze3A_80 = vector.extract %slice3A_79[0] : f32 from vector<1xf32>
    %add3A_81 = arith.addf %add3A_78, %squeeze3A_80 : f32
    %slice3A_82 = vector.extract_strided_slice %scan3A_9#1 {offsets = [9], sizes = [1], strides = [1]} : vector<16xf32> to vector<1xf32>
    %squeeze3A_83 = vector.extract %slice3A_82[0] : f32 from vector<1xf32>
    %add3A_84 = arith.addf %add3A_81, %squeeze3A_83 : f32
    %slice3A_85 = vector.extract_strided_slice %scan3A_9#1 {offsets = [10], sizes = [1], strides = [1]} : vector<16xf32> to vector<1xf32>
    %squeeze3A_86 = vector.extract %slice3A_85[0] : f32 from vector<1xf32>
    %add3A_87 = arith.addf %add3A_84, %squeeze3A_86 : f32
    %slice3A_88 = vector.extract_strided_slice %scan3A_9#1 {offsets = [11], sizes = [1], strides = [1]} : vector<16xf32> to vector<1xf32>
    %squeeze3A_89 = vector.extract %slice3A_88[0] : f32 from vector<1xf32>
    %add3A_90 = arith.addf %add3A_87, %squeeze3A_89 : f32
    %slice3A_91 = vector.extract_strided_slice %scan3A_9#1 {offsets = [12], sizes = [1], strides = [1]} : vector<16xf32> to vector<1xf32>
    %squeeze3A_92 = vector.extract %slice3A_91[0] : f32 from vector<1xf32>
    %add3A_93 = arith.addf %add3A_90, %squeeze3A_92 : f32
    %slice3A_94 = vector.extract_strided_slice %scan3A_9#1 {offsets = [13], sizes = [1], strides = [1]} : vector<16xf32> to vector<1xf32>
    %squeeze3A_95 = vector.extract %slice3A_94[0] : f32 from vector<1xf32>
    %add3A_96 = arith.addf %add3A_93, %squeeze3A_95 : f32
    %slice3A_97 = vector.extract_strided_slice %scan3A_9#1 {offsets = [14], sizes = [1], strides = [1]} : vector<16xf32> to vector<1xf32>
    %squeeze3A_98 = vector.extract %slice3A_97[0] : f32 from vector<1xf32>
    %add3A_99 = arith.addf %add3A_96, %squeeze3A_98 : f32
    %slice3A_100 = vector.extract_strided_slice %scan3A_9#1 {offsets = [15], sizes = [1], strides = [1]} : vector<16xf32> to vector<1xf32>
    %squeeze3A_101 = vector.extract %slice3A_100[0] : f32 from vector<1xf32>
    %add3A_102 = arith.addf %add3A_99, %squeeze3A_101 : f32
    %slice3A_103 = vector.extract_strided_slice %scan3A_9#2 {offsets = [0], sizes = [1], strides = [1]} : vector<16xf32> to vector<1xf32>
    %squeeze3A_104 = vector.extract %slice3A_103[0] : f32 from vector<1xf32>
    %slice3A_105 = vector.extract_strided_slice %scan3A_9#2 {offsets = [1], sizes = [1], strides = [1]} : vector<16xf32> to vector<1xf32>
    %squeeze3A_106 = vector.extract %slice3A_105[0] : f32 from vector<1xf32>
    %max3A = arith.maximumf %squeeze3A_104, %squeeze3A_106 : f32
    %slice3A_107 = vector.extract_strided_slice %scan3A_9#2 {offsets = [2], sizes = [1], strides = [1]} : vector<16xf32> to vector<1xf32>
    %squeeze3A_108 = vector.extract %slice3A_107[0] : f32 from vector<1xf32>
    %max3A_109 = arith.maximumf %max3A, %squeeze3A_108 : f32
    %slice3A_110 = vector.extract_strided_slice %scan3A_9#2 {offsets = [3], sizes = [1], strides = [1]} : vector<16xf32> to vector<1xf32>
    %squeeze3A_111 = vector.extract %slice3A_110[0] : f32 from vector<1xf32>
    %max3A_112 = arith.maximumf %max3A_109, %squeeze3A_111 : f32
    %slice3A_113 = vector.extract_strided_slice %scan3A_9#2 {offsets = [4], sizes = [1], strides = [1]} : vector<16xf32> to vector<1xf32>
    %squeeze3A_114 = vector.extract %slice3A_113[0] : f32 from vector<1xf32>
    %max3A_115 = arith.maximumf %max3A_112, %squeeze3A_114 : f32
    %slice3A_116 = vector.extract_strided_slice %scan3A_9#2 {offsets = [5], sizes = [1], strides = [1]} : vector<16xf32> to vector<1xf32>
    %squeeze3A_117 = vector.extract %slice3A_116[0] : f32 from vector<1xf32>
    %max3A_118 = arith.maximumf %max3A_115, %squeeze3A_117 : f32
    %slice3A_119 = vector.extract_strided_slice %scan3A_9#2 {offsets = [6], sizes = [1], strides = [1]} : vector<16xf32> to vector<1xf32>
    %squeeze3A_120 = vector.extract %slice3A_119[0] : f32 from vector<1xf32>
    %max3A_121 = arith.maximumf %max3A_118, %squeeze3A_120 : f32
    %slice3A_122 = vector.extract_strided_slice %scan3A_9#2 {offsets = [7], sizes = [1], strides = [1]} : vector<16xf32> to vector<1xf32>
    %squeeze3A_123 = vector.extract %slice3A_122[0] : f32 from vector<1xf32>
    %max3A_124 = arith.maximumf %max3A_121, %squeeze3A_123 : f32
    %slice3A_125 = vector.extract_strided_slice %scan3A_9#2 {offsets = [8], sizes = [1], strides = [1]} : vector<16xf32> to vector<1xf32>
    %squeeze3A_126 = vector.extract %slice3A_125[0] : f32 from vector<1xf32>
    %max3A_127 = arith.maximumf %max3A_124, %squeeze3A_126 : f32
    %slice3A_128 = vector.extract_strided_slice %scan3A_9#2 {offsets = [9], sizes = [1], strides = [1]} : vector<16xf32> to vector<1xf32>
    %squeeze3A_129 = vector.extract %slice3A_128[0] : f32 from vector<1xf32>
    %max3A_130 = arith.maximumf %max3A_127, %squeeze3A_129 : f32
    %slice3A_131 = vector.extract_strided_slice %scan3A_9#2 {offsets = [10], sizes = [1], strides = [1]} : vector<16xf32> to vector<1xf32>
    %squeeze3A_132 = vector.extract %slice3A_131[0] : f32 from vector<1xf32>
    %max3A_133 = arith.maximumf %max3A_130, %squeeze3A_132 : f32
    %slice3A_134 = vector.extract_strided_slice %scan3A_9#2 {offsets = [11], sizes = [1], strides = [1]} : vector<16xf32> to vector<1xf32>
    %squeeze3A_135 = vector.extract %slice3A_134[0] : f32 from vector<1xf32>
    %max3A_136 = arith.maximumf %max3A_133, %squeeze3A_135 : f32
    %slice3A_137 = vector.extract_strided_slice %scan3A_9#2 {offsets = [12], sizes = [1], strides = [1]} : vector<16xf32> to vector<1xf32>
    %squeeze3A_138 = vector.extract %slice3A_137[0] : f32 from vector<1xf32>
    %max3A_139 = arith.maximumf %max3A_136, %squeeze3A_138 : f32
    %slice3A_140 = vector.extract_strided_slice %scan3A_9#2 {offsets = [13], sizes = [1], strides = [1]} : vector<16xf32> to vector<1xf32>
    %squeeze3A_141 = vector.extract %slice3A_140[0] : f32 from vector<1xf32>
    %max3A_142 = arith.maximumf %max3A_139, %squeeze3A_141 : f32
    %slice3A_143 = vector.extract_strided_slice %scan3A_9#2 {offsets = [14], sizes = [1], strides = [1]} : vector<16xf32> to vector<1xf32>
    %squeeze3A_144 = vector.extract %slice3A_143[0] : f32 from vector<1xf32>
    %max3A_145 = arith.maximumf %max3A_142, %squeeze3A_144 : f32
    %slice3A_146 = vector.extract_strided_slice %scan3A_9#2 {offsets = [15], sizes = [1], strides = [1]} : vector<16xf32> to vector<1xf32>
    %squeeze3A_147 = vector.extract %slice3A_146[0] : f32 from vector<1xf32>
    %max3A_148 = arith.maximumf %max3A_145, %squeeze3A_147 : f32
    %sub3A = arith.constant 8.732000e+03 : f32
    %sub3A_149 = arith.subf %sub3A, %add3A_55 : f32
    %mul3A_150 = arith.constant 3.000000e+00 : f32
    %mul3A_151 = arith.mulf %mul3A_150, %sub3A_149 : f32
    %lt3A = arith.constant 5.000000e-01 : f32
    %lt3A_152 = arith.cmpf olt, %mul3A_151, %lt3A : f32
    %convert_element_type3A = arith.extui %lt3A_152 : i1 to i32
    %cond3A = arith.constant 0 : i32
    %cond3A_153 = arith.cmpi ne, %convert_element_type3A, %cond3A : i32
    %cond3A_154 = scf.if %cond3A_153 -> (f32) {
      %cond3A_172 = arith.constant 0.000000e+00 : f32
      scf.yield %cond3A_172 : f32
    } else {
      %ge3A = arith.cmpf oge, %mul3A_151, %add3A_55 : f32
      %convert_element_type3A_172 = arith.extui %ge3A : i1 to i32
      %cond3A_173 = arith.constant 0 : i32
      %cond3A_174 = arith.cmpi ne, %convert_element_type3A_172, %cond3A_173 : i32
      %cond3A_175 = scf.if %cond3A_174 -> (f32) {
        scf.yield %add3A_102 : f32
      } else {
        %scan3A_176 = arith.constant -1.000000e+00 : f32
        %scan3A_177 = arith.constant 0 : i32
        %scan3A_178 = arith.constant 40 : i32
        %scan3A_179 = arith.addi %scan3A_177, %scan3A_178 : i32
        %scan3A_180 = arith.constant 1 : i32
        %scan3A_181:2 = scf.for %scan3A_290 = %scan3A_177 to %scan3A_179 step %scan3A_180 iter_args(%scan3A_291 = %scan3A_176, %scan3A_292 = %max3A_148) -> (f32, f32)  : i32 {
          %add3A_293 = arith.addf %scan3A_291, %scan3A_292 : f32
          %mul3A_294 = arith.constant 5.000000e-01 : f32
          %mul3A_295 = arith.mulf %mul3A_294, %add3A_293 : f32
          %broadcast_in_dim3A_296 = arith.constant 0.000000e+00 : f32
          %broadcast_in_dim3A_297 = vector.broadcast %broadcast_in_dim3A_296 : f32 to vector<16xf32>
          %scan3A_298 = arith.constant 0 : i32
          %scan3A_299 = arith.constant 552 : i32
          %scan3A_300 = arith.addi %scan3A_298, %scan3A_299 : i32
          %scan3A_301 = arith.constant 1 : i32
          %scan3A_302 = scf.for %scan3A_354 = %scan3A_298 to %scan3A_300 step %scan3A_301 iter_args(%scan3A_355 = %broadcast_in_dim3A_297) -> (vector<16xf32>)  : i32 {
            %mul3A_356 = arith.constant 16 : i32
            %mul3A_357 = arith.muli %scan3A_354, %mul3A_356 : i32
            %get3A = arith.index_cast %mul3A_357 : i32 to index
            %get3A_358 = tpu.vector_load %arg4[%get3A] {strides = array<i32>} : memref<8832xf32, #tpu.memory_space<vmem>>, vector<16xf32>,
            %get3A_359 = vector.shape_cast %get3A_358 : vector<16xf32> to vector<16xf32>
            %gt3A = vector.broadcast %mul3A_295 : f32 to vector<16xf32>
            %gt3A_360 = arith.cmpf ogt, %get3A_359, %gt3A : vector<16xf32>
            %jit3A = arith.constant 1.000000e+00 : f32
            %jit3A_361 = arith.constant 0.000000e+00 : f32
            %broadcast_in_dim3A_362 = vector.broadcast %jit3A : f32 to vector<16xf32>
            %broadcast_in_dim3A_363 = vector.broadcast %jit3A_361 : f32 to vector<16xf32>
            %select_n3A_364 = arith.select %gt3A_360, %broadcast_in_dim3A_362, %broadcast_in_dim3A_363 : vector<16xi1>, vector<16xf32>
            %add3A_365 = arith.addf %scan3A_355, %select_n3A_364 : vector<16xf32>
            scf.yield %add3A_365 : vector<16xf32>
          }
          %scan3A_303 = arith.constant 552 : i32
          %slice3A_304 = vector.extract_strided_slice %scan3A_302 {offsets = [0], sizes = [1], strides = [1]} : vector<16xf32> to vector<1xf32>
          %squeeze3A_305 = vector.extract %slice3A_304[0] : f32 from vector<1xf32>
          %slice3A_306 = vector.extract_strided_slice %scan3A_302 {offsets = [1], sizes = [1], strides = [1]} : vector<16xf32> to vector<1xf32>
          %squeeze3A_307 = vector.extract %slice3A_306[0] : f32 from vector<1xf32>
          %add3A_308 = arith.addf %squeeze3A_305, %squeeze3A_307 : f32
          %slice3A_309 = vector.extract_strided_slice %scan3A_302 {offsets = [2], sizes = [1], strides = [1]} : vector<16xf32> to vector<1xf32>
          %squeeze3A_310 = vector.extract %slice3A_309[0] : f32 from vector<1xf32>
          %add3A_311 = arith.addf %add3A_308, %squeeze3A_310 : f32
          %slice3A_312 = vector.extract_strided_slice %scan3A_302 {offsets = [3], sizes = [1], strides = [1]} : vector<16xf32> to vector<1xf32>
          %squeeze3A_313 = vector.extract %slice3A_312[0] : f32 from vector<1xf32>
          %add3A_314 = arith.addf %add3A_311, %squeeze3A_313 : f32
          %slice3A_315 = vector.extract_strided_slice %scan3A_302 {offsets = [4], sizes = [1], strides = [1]} : vector<16xf32> to vector<1xf32>
          %squeeze3A_316 = vector.extract %slice3A_315[0] : f32 from vector<1xf32>
          %add3A_317 = arith.addf %add3A_314, %squeeze3A_316 : f32
          %slice3A_318 = vector.extract_strided_slice %scan3A_302 {offsets = [5], sizes = [1], strides = [1]} : vector<16xf32> to vector<1xf32>
          %squeeze3A_319 = vector.extract %slice3A_318[0] : f32 from vector<1xf32>
          %add3A_320 = arith.addf %add3A_317, %squeeze3A_319 : f32
          %slice3A_321 = vector.extract_strided_slice %scan3A_302 {offsets = [6], sizes = [1], strides = [1]} : vector<16xf32> to vector<1xf32>
          %squeeze3A_322 = vector.extract %slice3A_321[0] : f32 from vector<1xf32>
          %add3A_323 = arith.addf %add3A_320, %squeeze3A_322 : f32
          %slice3A_324 = vector.extract_strided_slice %scan3A_302 {offsets = [7], sizes = [1], strides = [1]} : vector<16xf32> to vector<1xf32>
          %squeeze3A_325 = vector.extract %slice3A_324[0] : f32 from vector<1xf32>
          %add3A_326 = arith.addf %add3A_323, %squeeze3A_325 : f32
          %slice3A_327 = vector.extract_strided_slice %scan3A_302 {offsets = [8], sizes = [1], strides = [1]} : vector<16xf32> to vector<1xf32>
          %squeeze3A_328 = vector.extract %slice3A_327[0] : f32 from vector<1xf32>
          %add3A_329 = arith.addf %add3A_326, %squeeze3A_328 : f32
          %slice3A_330 = vector.extract_strided_slice %scan3A_302 {offsets = [9], sizes = [1], strides = [1]} : vector<16xf32> to vector<1xf32>
          %squeeze3A_331 = vector.extract %slice3A_330[0] : f32 from vector<1xf32>
          %add3A_332 = arith.addf %add3A_329, %squeeze3A_331 : f32
          %slice3A_333 = vector.extract_strided_slice %scan3A_302 {offsets = [10], sizes = [1], strides = [1]} : vector<16xf32> to vector<1xf32>
          %squeeze3A_334 = vector.extract %slice3A_333[0] : f32 from vector<1xf32>
          %add3A_335 = arith.addf %add3A_332, %squeeze3A_334 : f32
          %slice3A_336 = vector.extract_strided_slice %scan3A_302 {offsets = [11], sizes = [1], strides = [1]} : vector<16xf32> to vector<1xf32>
          %squeeze3A_337 = vector.extract %slice3A_336[0] : f32 from vector<1xf32>
          %add3A_338 = arith.addf %add3A_335, %squeeze3A_337 : f32
          %slice3A_339 = vector.extract_strided_slice %scan3A_302 {offsets = [12], sizes = [1], strides = [1]} : vector<16xf32> to vector<1xf32>
          %squeeze3A_340 = vector.extract %slice3A_339[0] : f32 from vector<1xf32>
          %add3A_341 = arith.addf %add3A_338, %squeeze3A_340 : f32
          %slice3A_342 = vector.extract_strided_slice %scan3A_302 {offsets = [13], sizes = [1], strides = [1]} : vector<16xf32> to vector<1xf32>
          %squeeze3A_343 = vector.extract %slice3A_342[0] : f32 from vector<1xf32>
          %add3A_344 = arith.addf %add3A_341, %squeeze3A_343 : f32
          %slice3A_345 = vector.extract_strided_slice %scan3A_302 {offsets = [14], sizes = [1], strides = [1]} : vector<16xf32> to vector<1xf32>
          %squeeze3A_346 = vector.extract %slice3A_345[0] : f32 from vector<1xf32>
          %add3A_347 = arith.addf %add3A_344, %squeeze3A_346 : f32
          %slice3A_348 = vector.extract_strided_slice %scan3A_302 {offsets = [15], sizes = [1], strides = [1]} : vector<16xf32> to vector<1xf32>
          %squeeze3A_349 = vector.extract %slice3A_348[0] : f32 from vector<1xf32>
          %add3A_350 = arith.addf %add3A_347, %squeeze3A_349 : f32
          %ge3A_351 = arith.cmpf oge, %add3A_350, %mul3A_151 : f32
          %select_n3A = arith.select %ge3A_351, %mul3A_295, %scan3A_291 : f32
          %ge3A_352 = arith.cmpf oge, %add3A_350, %mul3A_151 : f32
          %select_n3A_353 = arith.select %ge3A_352, %scan3A_292, %mul3A_295 : f32
          scf.yield %select_n3A, %select_n3A_353 : f32, f32
        }
        %scan3A_182 = arith.constant 40 : i32
        %broadcast_in_dim3A_183 = arith.constant 0.000000e+00 : f32
        %broadcast_in_dim3A_184 = vector.broadcast %broadcast_in_dim3A_183 : f32 to vector<16xf32>
        %broadcast_in_dim3A_185 = arith.constant 0.000000e+00 : f32
        %broadcast_in_dim3A_186 = vector.broadcast %broadcast_in_dim3A_185 : f32 to vector<16xf32>
        %scan3A_187 = arith.constant 0 : i32
        %scan3A_188 = arith.constant 552 : i32
        %scan3A_189 = arith.addi %scan3A_187, %scan3A_188 : i32
        %scan3A_190 = arith.constant 1 : i32
        %scan3A_191:2 = scf.for %scan3A_290 = %scan3A_187 to %scan3A_189 step %scan3A_190 iter_args(%scan3A_291 = %broadcast_in_dim3A_184, %scan3A_292 = %broadcast_in_dim3A_186) -> (vector<16xf32>, vector<16xf32>)  : i32 {
          %mul3A_293 = arith.constant 16 : i32
          %mul3A_294 = arith.muli %scan3A_290, %mul3A_293 : i32
          %get3A = arith.index_cast %mul3A_294 : i32 to index
          %get3A_295 = tpu.vector_load %arg4[%get3A] {strides = array<i32>} : memref<8832xf32, #tpu.memory_space<vmem>>, vector<16xf32>,
          %get3A_296 = vector.shape_cast %get3A_295 : vector<16xf32> to vector<16xf32>
          %gt3A = vector.broadcast %scan3A_181#1 : f32 to vector<16xf32>
          %gt3A_297 = arith.cmpf ogt, %get3A_296, %gt3A : vector<16xf32>
          %jit3A = arith.constant 1.000000e+00 : f32
          %jit3A_298 = arith.constant 0.000000e+00 : f32
          %broadcast_in_dim3A_299 = vector.broadcast %jit3A : f32 to vector<16xf32>
          %broadcast_in_dim3A_300 = vector.broadcast %jit3A_298 : f32 to vector<16xf32>
          %select_n3A = arith.select %gt3A_297, %broadcast_in_dim3A_299, %broadcast_in_dim3A_300 : vector<16xi1>, vector<16xf32>
          %add3A_301 = arith.addf %scan3A_291, %select_n3A : vector<16xf32>
          %jit3A_302 = arith.constant 0.000000e+00 : f32
          %broadcast_in_dim3A_303 = vector.broadcast %jit3A_302 : f32 to vector<16xf32>
          %select_n3A_304 = arith.select %gt3A_297, %get3A_296, %broadcast_in_dim3A_303 : vector<16xi1>, vector<16xf32>
          %add3A_305 = arith.addf %scan3A_292, %select_n3A_304 : vector<16xf32>
          scf.yield %add3A_301, %add3A_305 : vector<16xf32>, vector<16xf32>
        }
        %scan3A_192 = arith.constant 552 : i32
        %slice3A_193 = vector.extract_strided_slice %scan3A_191#1 {offsets = [0], sizes = [1], strides = [1]} : vector<16xf32> to vector<1xf32>
        %squeeze3A_194 = vector.extract %slice3A_193[0] : f32 from vector<1xf32>
        %slice3A_195 = vector.extract_strided_slice %scan3A_191#1 {offsets = [1], sizes = [1], strides = [1]} : vector<16xf32> to vector<1xf32>
        %squeeze3A_196 = vector.extract %slice3A_195[0] : f32 from vector<1xf32>
        %add3A_197 = arith.addf %squeeze3A_194, %squeeze3A_196 : f32
        %slice3A_198 = vector.extract_strided_slice %scan3A_191#1 {offsets = [2], sizes = [1], strides = [1]} : vector<16xf32> to vector<1xf32>
        %squeeze3A_199 = vector.extract %slice3A_198[0] : f32 from vector<1xf32>
        %add3A_200 = arith.addf %add3A_197, %squeeze3A_199 : f32
        %slice3A_201 = vector.extract_strided_slice %scan3A_191#1 {offsets = [3], sizes = [1], strides = [1]} : vector<16xf32> to vector<1xf32>
        %squeeze3A_202 = vector.extract %slice3A_201[0] : f32 from vector<1xf32>
        %add3A_203 = arith.addf %add3A_200, %squeeze3A_202 : f32
        %slice3A_204 = vector.extract_strided_slice %scan3A_191#1 {offsets = [4], sizes = [1], strides = [1]} : vector<16xf32> to vector<1xf32>
        %squeeze3A_205 = vector.extract %slice3A_204[0] : f32 from vector<1xf32>
        %add3A_206 = arith.addf %add3A_203, %squeeze3A_205 : f32
        %slice3A_207 = vector.extract_strided_slice %scan3A_191#1 {offsets = [5], sizes = [1], strides = [1]} : vector<16xf32> to vector<1xf32>
        %squeeze3A_208 = vector.extract %slice3A_207[0] : f32 from vector<1xf32>
        %add3A_209 = arith.addf %add3A_206, %squeeze3A_208 : f32
        %slice3A_210 = vector.extract_strided_slice %scan3A_191#1 {offsets = [6], sizes = [1], strides = [1]} : vector<16xf32> to vector<1xf32>
        %squeeze3A_211 = vector.extract %slice3A_210[0] : f32 from vector<1xf32>
        %add3A_212 = arith.addf %add3A_209, %squeeze3A_211 : f32
        %slice3A_213 = vector.extract_strided_slice %scan3A_191#1 {offsets = [7], sizes = [1], strides = [1]} : vector<16xf32> to vector<1xf32>
        %squeeze3A_214 = vector.extract %slice3A_213[0] : f32 from vector<1xf32>
        %add3A_215 = arith.addf %add3A_212, %squeeze3A_214 : f32
        %slice3A_216 = vector.extract_strided_slice %scan3A_191#1 {offsets = [8], sizes = [1], strides = [1]} : vector<16xf32> to vector<1xf32>
        %squeeze3A_217 = vector.extract %slice3A_216[0] : f32 from vector<1xf32>
        %add3A_218 = arith.addf %add3A_215, %squeeze3A_217 : f32
        %slice3A_219 = vector.extract_strided_slice %scan3A_191#1 {offsets = [9], sizes = [1], strides = [1]} : vector<16xf32> to vector<1xf32>
        %squeeze3A_220 = vector.extract %slice3A_219[0] : f32 from vector<1xf32>
        %add3A_221 = arith.addf %add3A_218, %squeeze3A_220 : f32
        %slice3A_222 = vector.extract_strided_slice %scan3A_191#1 {offsets = [10], sizes = [1], strides = [1]} : vector<16xf32> to vector<1xf32>
        %squeeze3A_223 = vector.extract %slice3A_222[0] : f32 from vector<1xf32>
        %add3A_224 = arith.addf %add3A_221, %squeeze3A_223 : f32
        %slice3A_225 = vector.extract_strided_slice %scan3A_191#1 {offsets = [11], sizes = [1], strides = [1]} : vector<16xf32> to vector<1xf32>
        %squeeze3A_226 = vector.extract %slice3A_225[0] : f32 from vector<1xf32>
        %add3A_227 = arith.addf %add3A_224, %squeeze3A_226 : f32
        %slice3A_228 = vector.extract_strided_slice %scan3A_191#1 {offsets = [12], sizes = [1], strides = [1]} : vector<16xf32> to vector<1xf32>
        %squeeze3A_229 = vector.extract %slice3A_228[0] : f32 from vector<1xf32>
        %add3A_230 = arith.addf %add3A_227, %squeeze3A_229 : f32
        %slice3A_231 = vector.extract_strided_slice %scan3A_191#1 {offsets = [13], sizes = [1], strides = [1]} : vector<16xf32> to vector<1xf32>
        %squeeze3A_232 = vector.extract %slice3A_231[0] : f32 from vector<1xf32>
        %add3A_233 = arith.addf %add3A_230, %squeeze3A_232 : f32
        %slice3A_234 = vector.extract_strided_slice %scan3A_191#1 {offsets = [14], sizes = [1], strides = [1]} : vector<16xf32> to vector<1xf32>
        %squeeze3A_235 = vector.extract %slice3A_234[0] : f32 from vector<1xf32>
        %add3A_236 = arith.addf %add3A_233, %squeeze3A_235 : f32
        %slice3A_237 = vector.extract_strided_slice %scan3A_191#1 {offsets = [15], sizes = [1], strides = [1]} : vector<16xf32> to vector<1xf32>
        %squeeze3A_238 = vector.extract %slice3A_237[0] : f32 from vector<1xf32>
        %add3A_239 = arith.addf %add3A_236, %squeeze3A_238 : f32
        %slice3A_240 = vector.extract_strided_slice %scan3A_191#0 {offsets = [0], sizes = [1], strides = [1]} : vector<16xf32> to vector<1xf32>
        %squeeze3A_241 = vector.extract %slice3A_240[0] : f32 from vector<1xf32>
        %slice3A_242 = vector.extract_strided_slice %scan3A_191#0 {offsets = [1], sizes = [1], strides = [1]} : vector<16xf32> to vector<1xf32>
        %squeeze3A_243 = vector.extract %slice3A_242[0] : f32 from vector<1xf32>
        %add3A_244 = arith.addf %squeeze3A_241, %squeeze3A_243 : f32
        %slice3A_245 = vector.extract_strided_slice %scan3A_191#0 {offsets = [2], sizes = [1], strides = [1]} : vector<16xf32> to vector<1xf32>
        %squeeze3A_246 = vector.extract %slice3A_245[0] : f32 from vector<1xf32>
        %add3A_247 = arith.addf %add3A_244, %squeeze3A_246 : f32
        %slice3A_248 = vector.extract_strided_slice %scan3A_191#0 {offsets = [3], sizes = [1], strides = [1]} : vector<16xf32> to vector<1xf32>
        %squeeze3A_249 = vector.extract %slice3A_248[0] : f32 from vector<1xf32>
        %add3A_250 = arith.addf %add3A_247, %squeeze3A_249 : f32
        %slice3A_251 = vector.extract_strided_slice %scan3A_191#0 {offsets = [4], sizes = [1], strides = [1]} : vector<16xf32> to vector<1xf32>
        %squeeze3A_252 = vector.extract %slice3A_251[0] : f32 from vector<1xf32>
        %add3A_253 = arith.addf %add3A_250, %squeeze3A_252 : f32
        %slice3A_254 = vector.extract_strided_slice %scan3A_191#0 {offsets = [5], sizes = [1], strides = [1]} : vector<16xf32> to vector<1xf32>
        %squeeze3A_255 = vector.extract %slice3A_254[0] : f32 from vector<1xf32>
        %add3A_256 = arith.addf %add3A_253, %squeeze3A_255 : f32
        %slice3A_257 = vector.extract_strided_slice %scan3A_191#0 {offsets = [6], sizes = [1], strides = [1]} : vector<16xf32> to vector<1xf32>
        %squeeze3A_258 = vector.extract %slice3A_257[0] : f32 from vector<1xf32>
        %add3A_259 = arith.addf %add3A_256, %squeeze3A_258 : f32
        %slice3A_260 = vector.extract_strided_slice %scan3A_191#0 {offsets = [7], sizes = [1], strides = [1]} : vector<16xf32> to vector<1xf32>
        %squeeze3A_261 = vector.extract %slice3A_260[0] : f32 from vector<1xf32>
        %add3A_262 = arith.addf %add3A_259, %squeeze3A_261 : f32
        %slice3A_263 = vector.extract_strided_slice %scan3A_191#0 {offsets = [8], sizes = [1], strides = [1]} : vector<16xf32> to vector<1xf32>
        %squeeze3A_264 = vector.extract %slice3A_263[0] : f32 from vector<1xf32>
        %add3A_265 = arith.addf %add3A_262, %squeeze3A_264 : f32
        %slice3A_266 = vector.extract_strided_slice %scan3A_191#0 {offsets = [9], sizes = [1], strides = [1]} : vector<16xf32> to vector<1xf32>
        %squeeze3A_267 = vector.extract %slice3A_266[0] : f32 from vector<1xf32>
        %add3A_268 = arith.addf %add3A_265, %squeeze3A_267 : f32
        %slice3A_269 = vector.extract_strided_slice %scan3A_191#0 {offsets = [10], sizes = [1], strides = [1]} : vector<16xf32> to vector<1xf32>
        %squeeze3A_270 = vector.extract %slice3A_269[0] : f32 from vector<1xf32>
        %add3A_271 = arith.addf %add3A_268, %squeeze3A_270 : f32
        %slice3A_272 = vector.extract_strided_slice %scan3A_191#0 {offsets = [11], sizes = [1], strides = [1]} : vector<16xf32> to vector<1xf32>
        %squeeze3A_273 = vector.extract %slice3A_272[0] : f32 from vector<1xf32>
        %add3A_274 = arith.addf %add3A_271, %squeeze3A_273 : f32
        %slice3A_275 = vector.extract_strided_slice %scan3A_191#0 {offsets = [12], sizes = [1], strides = [1]} : vector<16xf32> to vector<1xf32>
        %squeeze3A_276 = vector.extract %slice3A_275[0] : f32 from vector<1xf32>
        %add3A_277 = arith.addf %add3A_274, %squeeze3A_276 : f32
        %slice3A_278 = vector.extract_strided_slice %scan3A_191#0 {offsets = [13], sizes = [1], strides = [1]} : vector<16xf32> to vector<1xf32>
        %squeeze3A_279 = vector.extract %slice3A_278[0] : f32 from vector<1xf32>
        %add3A_280 = arith.addf %add3A_277, %squeeze3A_279 : f32
        %slice3A_281 = vector.extract_strided_slice %scan3A_191#0 {offsets = [14], sizes = [1], strides = [1]} : vector<16xf32> to vector<1xf32>
        %squeeze3A_282 = vector.extract %slice3A_281[0] : f32 from vector<1xf32>
        %add3A_283 = arith.addf %add3A_280, %squeeze3A_282 : f32
        %slice3A_284 = vector.extract_strided_slice %scan3A_191#0 {offsets = [15], sizes = [1], strides = [1]} : vector<16xf32> to vector<1xf32>
        %squeeze3A_285 = vector.extract %slice3A_284[0] : f32 from vector<1xf32>
        %add3A_286 = arith.addf %add3A_283, %squeeze3A_285 : f32
        %sub3A_287 = arith.subf %mul3A_151, %add3A_286 : f32
        %mul3A_288 = arith.mulf %sub3A_287, %scan3A_181#1 : f32
        %add3A_289 = arith.addf %add3A_239, %mul3A_288 : f32
        scf.yield %add3A_289 : f32
      }
      scf.yield %cond3A_175 : f32
    }
    %add3A_155 = arith.constant 5.000000e+00 : f32
    %add3A_156 = arith.addf %add3A_155, %sub3A_149 : f32
    %lt3A_157 = arith.constant 5.000000e-01 : f32
    %lt3A_158 = arith.cmpf olt, %add3A_156, %lt3A_157 : f32
    %convert_element_type3A_159 = arith.extui %lt3A_158 : i1 to i32
    %cond3A_160 = arith.constant 0 : i32
    %cond3A_161 = arith.cmpi ne, %convert_element_type3A_159, %cond3A_160 : i32
    %cond3A_162 = scf.if %cond3A_161 -> (f32) {
      %cond3A_172 = arith.constant 0.000000e+00 : f32
      scf.yield %cond3A_172 : f32
    } else {
      %ge3A = arith.cmpf oge, %add3A_156, %add3A_55 : f32
      %convert_element_type3A_172 = arith.extui %ge3A : i1 to i32
      %cond3A_173 = arith.constant 0 : i32
      %cond3A_174 = arith.cmpi ne, %convert_element_type3A_172, %cond3A_173 : i32
      %cond3A_175 = scf.if %cond3A_174 -> (f32) {
        scf.yield %add3A_102 : f32
      } else {
        %scan3A_176 = arith.constant -1.000000e+00 : f32
        %scan3A_177 = arith.constant 0 : i32
        %scan3A_178 = arith.constant 40 : i32
        %scan3A_179 = arith.addi %scan3A_177, %scan3A_178 : i32
        %scan3A_180 = arith.constant 1 : i32
        %scan3A_181:2 = scf.for %scan3A_290 = %scan3A_177 to %scan3A_179 step %scan3A_180 iter_args(%scan3A_291 = %scan3A_176, %scan3A_292 = %max3A_148) -> (f32, f32)  : i32 {
          %add3A_293 = arith.addf %scan3A_291, %scan3A_292 : f32
          %mul3A_294 = arith.constant 5.000000e-01 : f32
          %mul3A_295 = arith.mulf %mul3A_294, %add3A_293 : f32
          %broadcast_in_dim3A_296 = arith.constant 0.000000e+00 : f32
          %broadcast_in_dim3A_297 = vector.broadcast %broadcast_in_dim3A_296 : f32 to vector<16xf32>
          %scan3A_298 = arith.constant 0 : i32
          %scan3A_299 = arith.constant 552 : i32
          %scan3A_300 = arith.addi %scan3A_298, %scan3A_299 : i32
          %scan3A_301 = arith.constant 1 : i32
          %scan3A_302 = scf.for %scan3A_354 = %scan3A_298 to %scan3A_300 step %scan3A_301 iter_args(%scan3A_355 = %broadcast_in_dim3A_297) -> (vector<16xf32>)  : i32 {
            %mul3A_356 = arith.constant 16 : i32
            %mul3A_357 = arith.muli %scan3A_354, %mul3A_356 : i32
            %get3A = arith.index_cast %mul3A_357 : i32 to index
            %get3A_358 = tpu.vector_load %arg4[%get3A] {strides = array<i32>} : memref<8832xf32, #tpu.memory_space<vmem>>, vector<16xf32>,
            %get3A_359 = vector.shape_cast %get3A_358 : vector<16xf32> to vector<16xf32>
            %gt3A = vector.broadcast %mul3A_295 : f32 to vector<16xf32>
            %gt3A_360 = arith.cmpf ogt, %get3A_359, %gt3A : vector<16xf32>
            %jit3A = arith.constant 1.000000e+00 : f32
            %jit3A_361 = arith.constant 0.000000e+00 : f32
            %broadcast_in_dim3A_362 = vector.broadcast %jit3A : f32 to vector<16xf32>
            %broadcast_in_dim3A_363 = vector.broadcast %jit3A_361 : f32 to vector<16xf32>
            %select_n3A_364 = arith.select %gt3A_360, %broadcast_in_dim3A_362, %broadcast_in_dim3A_363 : vector<16xi1>, vector<16xf32>
            %add3A_365 = arith.addf %scan3A_355, %select_n3A_364 : vector<16xf32>
            scf.yield %add3A_365 : vector<16xf32>
          }
          %scan3A_303 = arith.constant 552 : i32
          %slice3A_304 = vector.extract_strided_slice %scan3A_302 {offsets = [0], sizes = [1], strides = [1]} : vector<16xf32> to vector<1xf32>
          %squeeze3A_305 = vector.extract %slice3A_304[0] : f32 from vector<1xf32>
          %slice3A_306 = vector.extract_strided_slice %scan3A_302 {offsets = [1], sizes = [1], strides = [1]} : vector<16xf32> to vector<1xf32>
          %squeeze3A_307 = vector.extract %slice3A_306[0] : f32 from vector<1xf32>
          %add3A_308 = arith.addf %squeeze3A_305, %squeeze3A_307 : f32
          %slice3A_309 = vector.extract_strided_slice %scan3A_302 {offsets = [2], sizes = [1], strides = [1]} : vector<16xf32> to vector<1xf32>
          %squeeze3A_310 = vector.extract %slice3A_309[0] : f32 from vector<1xf32>
          %add3A_311 = arith.addf %add3A_308, %squeeze3A_310 : f32
          %slice3A_312 = vector.extract_strided_slice %scan3A_302 {offsets = [3], sizes = [1], strides = [1]} : vector<16xf32> to vector<1xf32>
          %squeeze3A_313 = vector.extract %slice3A_312[0] : f32 from vector<1xf32>
          %add3A_314 = arith.addf %add3A_311, %squeeze3A_313 : f32
          %slice3A_315 = vector.extract_strided_slice %scan3A_302 {offsets = [4], sizes = [1], strides = [1]} : vector<16xf32> to vector<1xf32>
          %squeeze3A_316 = vector.extract %slice3A_315[0] : f32 from vector<1xf32>
          %add3A_317 = arith.addf %add3A_314, %squeeze3A_316 : f32
          %slice3A_318 = vector.extract_strided_slice %scan3A_302 {offsets = [5], sizes = [1], strides = [1]} : vector<16xf32> to vector<1xf32>
          %squeeze3A_319 = vector.extract %slice3A_318[0] : f32 from vector<1xf32>
          %add3A_320 = arith.addf %add3A_317, %squeeze3A_319 : f32
          %slice3A_321 = vector.extract_strided_slice %scan3A_302 {offsets = [6], sizes = [1], strides = [1]} : vector<16xf32> to vector<1xf32>
          %squeeze3A_322 = vector.extract %slice3A_321[0] : f32 from vector<1xf32>
          %add3A_323 = arith.addf %add3A_320, %squeeze3A_322 : f32
          %slice3A_324 = vector.extract_strided_slice %scan3A_302 {offsets = [7], sizes = [1], strides = [1]} : vector<16xf32> to vector<1xf32>
          %squeeze3A_325 = vector.extract %slice3A_324[0] : f32 from vector<1xf32>
          %add3A_326 = arith.addf %add3A_323, %squeeze3A_325 : f32
          %slice3A_327 = vector.extract_strided_slice %scan3A_302 {offsets = [8], sizes = [1], strides = [1]} : vector<16xf32> to vector<1xf32>
          %squeeze3A_328 = vector.extract %slice3A_327[0] : f32 from vector<1xf32>
          %add3A_329 = arith.addf %add3A_326, %squeeze3A_328 : f32
          %slice3A_330 = vector.extract_strided_slice %scan3A_302 {offsets = [9], sizes = [1], strides = [1]} : vector<16xf32> to vector<1xf32>
          %squeeze3A_331 = vector.extract %slice3A_330[0] : f32 from vector<1xf32>
          %add3A_332 = arith.addf %add3A_329, %squeeze3A_331 : f32
          %slice3A_333 = vector.extract_strided_slice %scan3A_302 {offsets = [10], sizes = [1], strides = [1]} : vector<16xf32> to vector<1xf32>
          %squeeze3A_334 = vector.extract %slice3A_333[0] : f32 from vector<1xf32>
          %add3A_335 = arith.addf %add3A_332, %squeeze3A_334 : f32
          %slice3A_336 = vector.extract_strided_slice %scan3A_302 {offsets = [11], sizes = [1], strides = [1]} : vector<16xf32> to vector<1xf32>
          %squeeze3A_337 = vector.extract %slice3A_336[0] : f32 from vector<1xf32>
          %add3A_338 = arith.addf %add3A_335, %squeeze3A_337 : f32
          %slice3A_339 = vector.extract_strided_slice %scan3A_302 {offsets = [12], sizes = [1], strides = [1]} : vector<16xf32> to vector<1xf32>
          %squeeze3A_340 = vector.extract %slice3A_339[0] : f32 from vector<1xf32>
          %add3A_341 = arith.addf %add3A_338, %squeeze3A_340 : f32
          %slice3A_342 = vector.extract_strided_slice %scan3A_302 {offsets = [13], sizes = [1], strides = [1]} : vector<16xf32> to vector<1xf32>
          %squeeze3A_343 = vector.extract %slice3A_342[0] : f32 from vector<1xf32>
          %add3A_344 = arith.addf %add3A_341, %squeeze3A_343 : f32
          %slice3A_345 = vector.extract_strided_slice %scan3A_302 {offsets = [14], sizes = [1], strides = [1]} : vector<16xf32> to vector<1xf32>
          %squeeze3A_346 = vector.extract %slice3A_345[0] : f32 from vector<1xf32>
          %add3A_347 = arith.addf %add3A_344, %squeeze3A_346 : f32
          %slice3A_348 = vector.extract_strided_slice %scan3A_302 {offsets = [15], sizes = [1], strides = [1]} : vector<16xf32> to vector<1xf32>
          %squeeze3A_349 = vector.extract %slice3A_348[0] : f32 from vector<1xf32>
          %add3A_350 = arith.addf %add3A_347, %squeeze3A_349 : f32
          %ge3A_351 = arith.cmpf oge, %add3A_350, %add3A_156 : f32
          %select_n3A = arith.select %ge3A_351, %mul3A_295, %scan3A_291 : f32
          %ge3A_352 = arith.cmpf oge, %add3A_350, %add3A_156 : f32
          %select_n3A_353 = arith.select %ge3A_352, %scan3A_292, %mul3A_295 : f32
          scf.yield %select_n3A, %select_n3A_353 : f32, f32
        }
        %scan3A_182 = arith.constant 40 : i32
        %broadcast_in_dim3A_183 = arith.constant 0.000000e+00 : f32
        %broadcast_in_dim3A_184 = vector.broadcast %broadcast_in_dim3A_183 : f32 to vector<16xf32>
        %broadcast_in_dim3A_185 = arith.constant 0.000000e+00 : f32
        %broadcast_in_dim3A_186 = vector.broadcast %broadcast_in_dim3A_185 : f32 to vector<16xf32>
        %scan3A_187 = arith.constant 0 : i32
        %scan3A_188 = arith.constant 552 : i32
        %scan3A_189 = arith.addi %scan3A_187, %scan3A_188 : i32
        %scan3A_190 = arith.constant 1 : i32
        %scan3A_191:2 = scf.for %scan3A_290 = %scan3A_187 to %scan3A_189 step %scan3A_190 iter_args(%scan3A_291 = %broadcast_in_dim3A_184, %scan3A_292 = %broadcast_in_dim3A_186) -> (vector<16xf32>, vector<16xf32>)  : i32 {
          %mul3A_293 = arith.constant 16 : i32
          %mul3A_294 = arith.muli %scan3A_290, %mul3A_293 : i32
          %get3A = arith.index_cast %mul3A_294 : i32 to index
          %get3A_295 = tpu.vector_load %arg4[%get3A] {strides = array<i32>} : memref<8832xf32, #tpu.memory_space<vmem>>, vector<16xf32>,
          %get3A_296 = vector.shape_cast %get3A_295 : vector<16xf32> to vector<16xf32>
          %gt3A = vector.broadcast %scan3A_181#1 : f32 to vector<16xf32>
          %gt3A_297 = arith.cmpf ogt, %get3A_296, %gt3A : vector<16xf32>
          %jit3A = arith.constant 1.000000e+00 : f32
          %jit3A_298 = arith.constant 0.000000e+00 : f32
          %broadcast_in_dim3A_299 = vector.broadcast %jit3A : f32 to vector<16xf32>
          %broadcast_in_dim3A_300 = vector.broadcast %jit3A_298 : f32 to vector<16xf32>
          %select_n3A = arith.select %gt3A_297, %broadcast_in_dim3A_299, %broadcast_in_dim3A_300 : vector<16xi1>, vector<16xf32>
          %add3A_301 = arith.addf %scan3A_291, %select_n3A : vector<16xf32>
          %jit3A_302 = arith.constant 0.000000e+00 : f32
          %broadcast_in_dim3A_303 = vector.broadcast %jit3A_302 : f32 to vector<16xf32>
          %select_n3A_304 = arith.select %gt3A_297, %get3A_296, %broadcast_in_dim3A_303 : vector<16xi1>, vector<16xf32>
          %add3A_305 = arith.addf %scan3A_292, %select_n3A_304 : vector<16xf32>
          scf.yield %add3A_301, %add3A_305 : vector<16xf32>, vector<16xf32>
        }
        %scan3A_192 = arith.constant 552 : i32
        %slice3A_193 = vector.extract_strided_slice %scan3A_191#1 {offsets = [0], sizes = [1], strides = [1]} : vector<16xf32> to vector<1xf32>
        %squeeze3A_194 = vector.extract %slice3A_193[0] : f32 from vector<1xf32>
        %slice3A_195 = vector.extract_strided_slice %scan3A_191#1 {offsets = [1], sizes = [1], strides = [1]} : vector<16xf32> to vector<1xf32>
        %squeeze3A_196 = vector.extract %slice3A_195[0] : f32 from vector<1xf32>
        %add3A_197 = arith.addf %squeeze3A_194, %squeeze3A_196 : f32
        %slice3A_198 = vector.extract_strided_slice %scan3A_191#1 {offsets = [2], sizes = [1], strides = [1]} : vector<16xf32> to vector<1xf32>
        %squeeze3A_199 = vector.extract %slice3A_198[0] : f32 from vector<1xf32>
        %add3A_200 = arith.addf %add3A_197, %squeeze3A_199 : f32
        %slice3A_201 = vector.extract_strided_slice %scan3A_191#1 {offsets = [3], sizes = [1], strides = [1]} : vector<16xf32> to vector<1xf32>
        %squeeze3A_202 = vector.extract %slice3A_201[0] : f32 from vector<1xf32>
        %add3A_203 = arith.addf %add3A_200, %squeeze3A_202 : f32
        %slice3A_204 = vector.extract_strided_slice %scan3A_191#1 {offsets = [4], sizes = [1], strides = [1]} : vector<16xf32> to vector<1xf32>
        %squeeze3A_205 = vector.extract %slice3A_204[0] : f32 from vector<1xf32>
        %add3A_206 = arith.addf %add3A_203, %squeeze3A_205 : f32
        %slice3A_207 = vector.extract_strided_slice %scan3A_191#1 {offsets = [5], sizes = [1], strides = [1]} : vector<16xf32> to vector<1xf32>
        %squeeze3A_208 = vector.extract %slice3A_207[0] : f32 from vector<1xf32>
        %add3A_209 = arith.addf %add3A_206, %squeeze3A_208 : f32
        %slice3A_210 = vector.extract_strided_slice %scan3A_191#1 {offsets = [6], sizes = [1], strides = [1]} : vector<16xf32> to vector<1xf32>
        %squeeze3A_211 = vector.extract %slice3A_210[0] : f32 from vector<1xf32>
        %add3A_212 = arith.addf %add3A_209, %squeeze3A_211 : f32
        %slice3A_213 = vector.extract_strided_slice %scan3A_191#1 {offsets = [7], sizes = [1], strides = [1]} : vector<16xf32> to vector<1xf32>
        %squeeze3A_214 = vector.extract %slice3A_213[0] : f32 from vector<1xf32>
        %add3A_215 = arith.addf %add3A_212, %squeeze3A_214 : f32
        %slice3A_216 = vector.extract_strided_slice %scan3A_191#1 {offsets = [8], sizes = [1], strides = [1]} : vector<16xf32> to vector<1xf32>
        %squeeze3A_217 = vector.extract %slice3A_216[0] : f32 from vector<1xf32>
        %add3A_218 = arith.addf %add3A_215, %squeeze3A_217 : f32
        %slice3A_219 = vector.extract_strided_slice %scan3A_191#1 {offsets = [9], sizes = [1], strides = [1]} : vector<16xf32> to vector<1xf32>
        %squeeze3A_220 = vector.extract %slice3A_219[0] : f32 from vector<1xf32>
        %add3A_221 = arith.addf %add3A_218, %squeeze3A_220 : f32
        %slice3A_222 = vector.extract_strided_slice %scan3A_191#1 {offsets = [10], sizes = [1], strides = [1]} : vector<16xf32> to vector<1xf32>
        %squeeze3A_223 = vector.extract %slice3A_222[0] : f32 from vector<1xf32>
        %add3A_224 = arith.addf %add3A_221, %squeeze3A_223 : f32
        %slice3A_225 = vector.extract_strided_slice %scan3A_191#1 {offsets = [11], sizes = [1], strides = [1]} : vector<16xf32> to vector<1xf32>
        %squeeze3A_226 = vector.extract %slice3A_225[0] : f32 from vector<1xf32>
        %add3A_227 = arith.addf %add3A_224, %squeeze3A_226 : f32
        %slice3A_228 = vector.extract_strided_slice %scan3A_191#1 {offsets = [12], sizes = [1], strides = [1]} : vector<16xf32> to vector<1xf32>
        %squeeze3A_229 = vector.extract %slice3A_228[0] : f32 from vector<1xf32>
        %add3A_230 = arith.addf %add3A_227, %squeeze3A_229 : f32
        %slice3A_231 = vector.extract_strided_slice %scan3A_191#1 {offsets = [13], sizes = [1], strides = [1]} : vector<16xf32> to vector<1xf32>
        %squeeze3A_232 = vector.extract %slice3A_231[0] : f32 from vector<1xf32>
        %add3A_233 = arith.addf %add3A_230, %squeeze3A_232 : f32
        %slice3A_234 = vector.extract_strided_slice %scan3A_191#1 {offsets = [14], sizes = [1], strides = [1]} : vector<16xf32> to vector<1xf32>
        %squeeze3A_235 = vector.extract %slice3A_234[0] : f32 from vector<1xf32>
        %add3A_236 = arith.addf %add3A_233, %squeeze3A_235 : f32
        %slice3A_237 = vector.extract_strided_slice %scan3A_191#1 {offsets = [15], sizes = [1], strides = [1]} : vector<16xf32> to vector<1xf32>
        %squeeze3A_238 = vector.extract %slice3A_237[0] : f32 from vector<1xf32>
        %add3A_239 = arith.addf %add3A_236, %squeeze3A_238 : f32
        %slice3A_240 = vector.extract_strided_slice %scan3A_191#0 {offsets = [0], sizes = [1], strides = [1]} : vector<16xf32> to vector<1xf32>
        %squeeze3A_241 = vector.extract %slice3A_240[0] : f32 from vector<1xf32>
        %slice3A_242 = vector.extract_strided_slice %scan3A_191#0 {offsets = [1], sizes = [1], strides = [1]} : vector<16xf32> to vector<1xf32>
        %squeeze3A_243 = vector.extract %slice3A_242[0] : f32 from vector<1xf32>
        %add3A_244 = arith.addf %squeeze3A_241, %squeeze3A_243 : f32
        %slice3A_245 = vector.extract_strided_slice %scan3A_191#0 {offsets = [2], sizes = [1], strides = [1]} : vector<16xf32> to vector<1xf32>
        %squeeze3A_246 = vector.extract %slice3A_245[0] : f32 from vector<1xf32>
        %add3A_247 = arith.addf %add3A_244, %squeeze3A_246 : f32
        %slice3A_248 = vector.extract_strided_slice %scan3A_191#0 {offsets = [3], sizes = [1], strides = [1]} : vector<16xf32> to vector<1xf32>
        %squeeze3A_249 = vector.extract %slice3A_248[0] : f32 from vector<1xf32>
        %add3A_250 = arith.addf %add3A_247, %squeeze3A_249 : f32
        %slice3A_251 = vector.extract_strided_slice %scan3A_191#0 {offsets = [4], sizes = [1], strides = [1]} : vector<16xf32> to vector<1xf32>
        %squeeze3A_252 = vector.extract %slice3A_251[0] : f32 from vector<1xf32>
        %add3A_253 = arith.addf %add3A_250, %squeeze3A_252 : f32
        %slice3A_254 = vector.extract_strided_slice %scan3A_191#0 {offsets = [5], sizes = [1], strides = [1]} : vector<16xf32> to vector<1xf32>
        %squeeze3A_255 = vector.extract %slice3A_254[0] : f32 from vector<1xf32>
        %add3A_256 = arith.addf %add3A_253, %squeeze3A_255 : f32
        %slice3A_257 = vector.extract_strided_slice %scan3A_191#0 {offsets = [6], sizes = [1], strides = [1]} : vector<16xf32> to vector<1xf32>
        %squeeze3A_258 = vector.extract %slice3A_257[0] : f32 from vector<1xf32>
        %add3A_259 = arith.addf %add3A_256, %squeeze3A_258 : f32
        %slice3A_260 = vector.extract_strided_slice %scan3A_191#0 {offsets = [7], sizes = [1], strides = [1]} : vector<16xf32> to vector<1xf32>
        %squeeze3A_261 = vector.extract %slice3A_260[0] : f32 from vector<1xf32>
        %add3A_262 = arith.addf %add3A_259, %squeeze3A_261 : f32
        %slice3A_263 = vector.extract_strided_slice %scan3A_191#0 {offsets = [8], sizes = [1], strides = [1]} : vector<16xf32> to vector<1xf32>
        %squeeze3A_264 = vector.extract %slice3A_263[0] : f32 from vector<1xf32>
        %add3A_265 = arith.addf %add3A_262, %squeeze3A_264 : f32
        %slice3A_266 = vector.extract_strided_slice %scan3A_191#0 {offsets = [9], sizes = [1], strides = [1]} : vector<16xf32> to vector<1xf32>
        %squeeze3A_267 = vector.extract %slice3A_266[0] : f32 from vector<1xf32>
        %add3A_268 = arith.addf %add3A_265, %squeeze3A_267 : f32
        %slice3A_269 = vector.extract_strided_slice %scan3A_191#0 {offsets = [10], sizes = [1], strides = [1]} : vector<16xf32> to vector<1xf32>
        %squeeze3A_270 = vector.extract %slice3A_269[0] : f32 from vector<1xf32>
        %add3A_271 = arith.addf %add3A_268, %squeeze3A_270 : f32
        %slice3A_272 = vector.extract_strided_slice %scan3A_191#0 {offsets = [11], sizes = [1], strides = [1]} : vector<16xf32> to vector<1xf32>
        %squeeze3A_273 = vector.extract %slice3A_272[0] : f32 from vector<1xf32>
        %add3A_274 = arith.addf %add3A_271, %squeeze3A_273 : f32
        %slice3A_275 = vector.extract_strided_slice %scan3A_191#0 {offsets = [12], sizes = [1], strides = [1]} : vector<16xf32> to vector<1xf32>
        %squeeze3A_276 = vector.extract %slice3A_275[0] : f32 from vector<1xf32>
        %add3A_277 = arith.addf %add3A_274, %squeeze3A_276 : f32
        %slice3A_278 = vector.extract_strided_slice %scan3A_191#0 {offsets = [13], sizes = [1], strides = [1]} : vector<16xf32> to vector<1xf32>
        %squeeze3A_279 = vector.extract %slice3A_278[0] : f32 from vector<1xf32>
        %add3A_280 = arith.addf %add3A_277, %squeeze3A_279 : f32
        %slice3A_281 = vector.extract_strided_slice %scan3A_191#0 {offsets = [14], sizes = [1], strides = [1]} : vector<16xf32> to vector<1xf32>
        %squeeze3A_282 = vector.extract %slice3A_281[0] : f32 from vector<1xf32>
        %add3A_283 = arith.addf %add3A_280, %squeeze3A_282 : f32
        %slice3A_284 = vector.extract_strided_slice %scan3A_191#0 {offsets = [15], sizes = [1], strides = [1]} : vector<16xf32> to vector<1xf32>
        %squeeze3A_285 = vector.extract %slice3A_284[0] : f32 from vector<1xf32>
        %add3A_286 = arith.addf %add3A_283, %squeeze3A_285 : f32
        %sub3A_287 = arith.subf %add3A_156, %add3A_286 : f32
        %mul3A_288 = arith.mulf %sub3A_287, %scan3A_181#1 : f32
        %add3A_289 = arith.addf %add3A_239, %mul3A_288 : f32
        scf.yield %add3A_289 : f32
      }
      scf.yield %cond3A_175 : f32
    }
    %broadcast_in_dim3A_163 = vector.broadcast %cond3A_154 : f32 to vector<16xf32>
    %swap3A = arith.constant 0 : index
    %swap3A_164 = tpu.vector_load %arg5[%swap3A] {strides = array<i32>} : memref<32xf32, #tpu.memory_space<vmem>>, vector<16xf32>,
    %swap3A_165 = vector.shape_cast %swap3A_164 : vector<16xf32> to vector<16xf32>
    %swap3A_166 = vector.shape_cast %broadcast_in_dim3A_163 : vector<16xf32> to vector<16xf32>
    tpu.vector_store %arg5[%swap3A], %swap3A_166 {strides = array<i32>} : memref<32xf32, #tpu.memory_space<vmem>>, vector<16xf32>,
    %broadcast_in_dim3A_167 = vector.broadcast %cond3A_162 : f32 to vector<16xf32>
    %swap3A_168 = arith.constant 16 : index
    %swap3A_169 = tpu.vector_load %arg5[%swap3A_168] {strides = array<i32>} : memref<32xf32, #tpu.memory_space<vmem>>, vector<16xf32>,
    %swap3A_170 = vector.shape_cast %swap3A_169 : vector<16xf32> to vector<16xf32>
    %swap3A_171 = vector.shape_cast %broadcast_in_dim3A_167 : vector<16xf32> to vector<16xf32>
    tpu.vector_store %arg5[%swap3A_168], %swap3A_171 {strides = array<i32>} : memref<32xf32, #tpu.memory_space<vmem>>, vector<16xf32>,
    "tpu.region"() ({
      %run_scoped3A = tpu.sem_alloc : memref<!tpu.dma_semaphore, #tpu.memory_space<semaphore_mem>>
      %dma_start3A = arith.constant 0 : i32
      %dma_start3A_172 = tpu.memref_slice %arg3[%add3A, %dma_start3A] : memref<32x32xf32, #tpu.memory_space<hbm>> -> memref<1x32xf32, #tpu.memory_space<hbm>>
      %dma_start3A_173 = tpu.memref_squeeze %dma_start3A_172 : memref<1x32xf32, #tpu.memory_space<hbm>> -> memref<32xf32, #tpu.memory_space<hbm>>
      %dma_start3A_174 = arith.constant 0 : i32
      %dma_start3A_175 = tpu.memref_slice %arg3[%add3A, %dma_start3A_174] : memref<32x32xf32, #tpu.memory_space<hbm>> -> memref<1x32xf32, #tpu.memory_space<hbm>>
      %dma_start3A_176 = tpu.memref_squeeze %dma_start3A_175 : memref<1x32xf32, #tpu.memory_space<hbm>> -> memref<32xf32, #tpu.memory_space<hbm>>
      tpu.enqueue_dma source(%arg5 : memref<32xf32, #tpu.memory_space<vmem>>) target(%dma_start3A_176 : memref<32xf32, #tpu.memory_space<hbm>>) target_semaphore(%run_scoped3A : memref<!tpu.dma_semaphore, #tpu.memory_space<semaphore_mem>>)
      %dma_wait3A = arith.constant 0 : i32
      %dma_wait3A_177 = tpu.memref_slice %arg3[%add3A, %dma_wait3A] : memref<32x32xf32, #tpu.memory_space<hbm>> -> memref<1x32xf32, #tpu.memory_space<hbm>>
      %dma_wait3A_178 = tpu.memref_squeeze %dma_wait3A_177 : memref<1x32xf32, #tpu.memory_space<hbm>> -> memref<32xf32, #tpu.memory_space<hbm>>
      %dma_wait3A_179 = arith.constant 0 : i32
      %dma_wait3A_180 = tpu.memref_slice %arg3[%add3A, %dma_wait3A_179] : memref<32x32xf32, #tpu.memory_space<hbm>> -> memref<1x32xf32, #tpu.memory_space<hbm>>
      %dma_wait3A_181 = tpu.memref_squeeze %dma_wait3A_180 : memref<1x32xf32, #tpu.memory_space<hbm>> -> memref<32xf32, #tpu.memory_space<hbm>>
      tpu.wait_dma2 semaphore(%run_scoped3A : memref<!tpu.dma_semaphore, #tpu.memory_space<semaphore_mem>>) src(%arg5 : memref<32xf32, #tpu.memory_space<vmem>>) dst(%dma_wait3A_181 : memref<32xf32, #tpu.memory_space<hbm>>)
      tpu.yield
    }) : () -> ()
    return
  }
}

module attributes {stable_mosaic.version = 14 : i64} {
  func.func @_tc_body(%arg0: i32, %arg1: i32, %arg2: memref<1x8832x81xf32, #tpu.memory_space<vmem>>, %arg3: memref<1x1x1x8832xi32, #tpu.memory_space<vmem>>, %arg4: memref<1x273x128xf32, #tpu.memory_space<vmem>>, %arg5: memref<1x273x128xf32, #tpu.memory_space<vmem>>, %arg6: memref<1x273x128xi32, #tpu.memory_space<vmem>>, %arg7: memref<1x1x1x8832xf32, #tpu.memory_space<vmem>>, %arg8: memref<1x1x128xf32, #tpu.memory_space<vmem>>) attributes {dimension_semantics = [#tpu.dimension_semantics<arbitrary>, #tpu.dimension_semantics<arbitrary>], iteration_bounds = array<i64: 32, 1>, scalar_prefetch = 0 : i64, scratch_operands = 0 : i64, tpu.core_type = #tpu.core_type<tc>, window_params = [{transform_indices = @transform_0, window_bounds = array<i64: 1, 8832, 81>}, {transform_indices = @transform_1, window_bounds = array<i64: 1, 1, 1, 8832>}, {transform_indices = @transform_2, window_bounds = array<i64: 1, 273, 128>}, {transform_indices = @transform_3, window_bounds = array<i64: 1, 273, 128>}, {transform_indices = @transform_4, window_bounds = array<i64: 1, 273, 128>}, {transform_indices = @transform_5, window_bounds = array<i64: 1, 1, 1, 8832>}, {transform_indices = @transform_6, window_bounds = array<i64: 1, 1, 128>}]} {
    %eq3A = arith.constant 0 : i32
    %eq3A_0 = arith.cmpi eq, %arg1, %eq3A : i32
    %convert_element_type3A = arith.extui %eq3A_0 : i1 to i32
    %cond3A = arith.constant 0 : i32
    %cond3A_1 = arith.cmpi ne, %convert_element_type3A, %cond3A : i32
    scf.if %cond3A_1 {
      %get3A_101 = arith.constant 0 : index
      %get3A_102 = arith.constant 0 : index
      %get3A_103 = arith.constant 0 : index
      %get3A_104 = vector.load %arg4[%get3A_101, %get3A_102, %get3A_103] : memref<1x273x128xf32, #tpu.memory_space<vmem>>, vector<1x273x128xf32>
      %get3A_105 = vector.shape_cast %get3A_104 : vector<1x273x128xf32> to vector<273x128xf32>
      %get3A_106 = arith.constant 0 : index
      %get3A_107 = arith.constant 0 : index
      %get3A_108 = arith.constant 0 : index
      %get3A_109 = vector.load %arg5[%get3A_106, %get3A_107, %get3A_108] : memref<1x273x128xf32, #tpu.memory_space<vmem>>, vector<1x273x128xf32>
      %get3A_110 = vector.shape_cast %get3A_109 : vector<1x273x128xf32> to vector<273x128xf32>
      %sub3A_111 = arith.subf %get3A_105, %get3A_110 : vector<273x128xf32>
      %abs3A = math.absf %sub3A_111 : vector<273x128xf32>
      %lt3A_112 = arith.constant 1.000000e+00 : f32
      %lt3A_113 = vector.broadcast %lt3A_112 : f32 to vector<273x128xf32>
      %lt3A_114 = arith.cmpf olt, %abs3A, %lt3A_113 : vector<273x128xf32>
      %mul3A_115 = arith.constant 5.000000e-01 : f32
      %mul3A_116 = vector.broadcast %mul3A_115 : f32 to vector<273x128xf32>
      %mul3A_117 = arith.mulf %mul3A_116, %abs3A : vector<273x128xf32>
      %mul3A_118 = arith.mulf %mul3A_117, %abs3A : vector<273x128xf32>
      %sub3A_119 = arith.constant 5.000000e-01 : f32
      %sub3A_120 = vector.broadcast %sub3A_119 : f32 to vector<273x128xf32>
      %sub3A_121 = arith.subf %abs3A, %sub3A_120 : vector<273x128xf32>
      %select_n3A_122 = arith.select %lt3A_114, %mul3A_118, %sub3A_121 : vector<273x128xi1>, vector<273x128xf32>
      %get3A_123 = arith.constant 0 : index
      %get3A_124 = arith.constant 0 : index
      %get3A_125 = arith.constant 0 : index
      %get3A_126 = vector.load %arg6[%get3A_123, %get3A_124, %get3A_125] : memref<1x273x128xi32, #tpu.memory_space<vmem>>, vector<1x273x128xi32>
      %get3A_127 = vector.shape_cast %get3A_126 : vector<1x273x128xi32> to vector<273x128xi32>
      %gt3A_128 = arith.constant 0 : i32
      %gt3A_129 = vector.broadcast %gt3A_128 : i32 to vector<273x128xi32>
      %gt3A_130 = arith.cmpi sgt, %get3A_127, %gt3A_129 : vector<273x128xi32>
      %jit3A_131 = arith.constant 0.000000e+00 : f32
      %broadcast_in_dim3A_132 = vector.broadcast %jit3A_131 : f32 to vector<273x128xf32>
      %select_n3A_133 = arith.select %gt3A_130, %select_n3A_122, %broadcast_in_dim3A_132 : vector<273x128xi1>, vector<273x128xf32>
      %reduce_sum3A_134 = vector.shape_cast %select_n3A_133 : vector<273x128xf32> to vector<1x273x128xf32>
      %reduce_sum3A_135 = arith.constant dense<0.000000e+00> : vector<1xf32>
      %reduce_sum3A_136 = vector.multi_reduction <add>, %reduce_sum3A_134, %reduce_sum3A_135 [1, 2] : vector<1x273x128xf32> to vector<1xf32>
      %reduce_sum3A_137 = vector.shape_cast %reduce_sum3A_136 : vector<1xf32> to vector<1x1x1xf32>
      %reduce_sum3A_138 = vector.extract %reduce_sum3A_137[0, 0, 0] : f32 from vector<1x1x1xf32>
      %iota3A_139 = tpu.iota {dimensions = array<i32: 2>} : vector<1x1x128xi32>
      %eq3A_140 = arith.constant 2 : i32
      %eq3A_141 = vector.broadcast %eq3A_140 : i32 to vector<1x1x128xi32>
      %eq3A_142 = arith.cmpi eq, %iota3A_139, %eq3A_141 : vector<1x1x128xi32>
      %jit3A_143 = arith.constant 0.000000e+00 : f32
      %broadcast_in_dim3A_144 = vector.broadcast %reduce_sum3A_138 : f32 to vector<1x1x128xf32>
      %broadcast_in_dim3A_145 = vector.broadcast %jit3A_143 : f32 to vector<1x1x128xf32>
      %select_n3A_146 = arith.select %eq3A_142, %broadcast_in_dim3A_144, %broadcast_in_dim3A_145 : vector<1x1x128xi1>, vector<1x1x128xf32>
      %swap3A_147 = arith.constant 0 : index
      %swap3A_148 = arith.constant 0 : index
      %swap3A_149 = arith.constant 0 : index
      %swap3A_150 = vector.load %arg8[%swap3A_147, %swap3A_148, %swap3A_149] : memref<1x1x128xf32, #tpu.memory_space<vmem>>, vector<1x1x128xf32>
      tpu.vector_store %arg8[%swap3A_147, %swap3A_148, %swap3A_149], %select_n3A_146 {strides = array<i32>} : memref<1x1x128xf32, #tpu.memory_space<vmem>>, vector<1x1x128xf32>,
    } else {
    }
    %get3A = arith.constant 0 : index
    %get3A_2 = arith.constant 0 : index
    %get3A_3 = arith.constant 0 : index
    %get3A_4 = vector.load %arg2[%get3A, %get3A_2, %get3A_3] : memref<1x8832x81xf32, #tpu.memory_space<vmem>>, vector<1x8832x81xf32>
    %get3A_5 = vector.shape_cast %get3A_4 : vector<1x8832x81xf32> to vector<8832x81xf32>
    %iota3A = tpu.iota {dimensions = array<i32: 0>} : vector<81x81xi32>
    %iota3A_6 = tpu.iota {dimensions = array<i32: 1>} : vector<81x81xi32>
    %eq3A_7 = arith.cmpi eq, %iota3A, %iota3A_6 : vector<81x81xi32>
    %jit3A = arith.constant 1.000000e+00 : f32
    %jit3A_8 = arith.constant 0.000000e+00 : f32
    %broadcast_in_dim3A = vector.broadcast %jit3A : f32 to vector<81x81xf32>
    %broadcast_in_dim3A_9 = vector.broadcast %jit3A_8 : f32 to vector<81x81xf32>
    %select_n3A = arith.select %eq3A_7, %broadcast_in_dim3A, %broadcast_in_dim3A_9 : vector<81x81xi1>, vector<81x81xf32>
    %dot_general3A = arith.constant dense<0.000000e+00> : vector<81x8832xf32>
    %dot_general3A_10 = tpu.matmul %select_n3A, %get3A_5, %dot_general3A {dimension_numbers = #tpu.dot_dimension_numbers<[1], [1], [0], [0], [0, 0, 1, 0], [], []>, precision = #tpu.contract_precision<fp32>, transpose_lhs_hint = false} : vector<81x81xf32>, vector<8832x81xf32>, vector<81x8832xf32> -> vector<81x8832xf32>
    %get3A_11 = arith.constant 0 : index
    %get3A_12 = arith.constant 0 : index
    %get3A_13 = arith.constant 0 : index
    %get3A_14 = arith.constant 0 : index
    %get3A_15 = vector.load %arg3[%get3A_11, %get3A_12, %get3A_13, %get3A_14] : memref<1x1x1x8832xi32, #tpu.memory_space<vmem>>, vector<1x1x1x8832xi32>
    %reshape3A = vector.shape_cast %get3A_15 : vector<1x1x1x8832xi32> to vector<1x8832xi32>
    %mul3A = arith.constant 8832 : i32
    %mul3A_16 = arith.muli %arg1, %mul3A : i32
    %iota3A_17 = tpu.iota {dimensions = array<i32: 1>} : vector<1x8832xi32>
    %add3A = vector.broadcast %mul3A_16 : i32 to vector<1x8832xi32>
    %add3A_18 = arith.addi %add3A, %iota3A_17 : vector<1x8832xi32>
    %lt3A = arith.constant 8732 : i32
    %lt3A_19 = vector.broadcast %lt3A : i32 to vector<1x8832xi32>
    %lt3A_20 = arith.cmpi slt, %add3A_18, %lt3A_19 : vector<1x8832xi32>
    %reduce_max3A = arith.constant dense<0xFF800000> : vector<8832xf32>
    %reduce_max3A_21 = vector.multi_reduction <maximumf>, %dot_general3A_10, %reduce_max3A [0] : vector<81x8832xf32> to vector<8832xf32>
    %broadcast_in_dim3A_22 = vector.shape_cast %reduce_max3A_21 : vector<8832xf32> to vector<1x8832xf32>
    %sub3A = vector.broadcast %broadcast_in_dim3A_22 : vector<1x8832xf32> to vector<81x8832xf32>
    %sub3A_23 = arith.subf %dot_general3A_10, %sub3A : vector<81x8832xf32>
    %exp3A = math.exp %sub3A_23 : vector<81x8832xf32>
    %reduce_sum3A = arith.constant dense<0.000000e+00> : vector<8832xf32>
    %reduce_sum3A_24 = vector.multi_reduction <add>, %exp3A, %reduce_sum3A [0] : vector<81x8832xf32> to vector<8832xf32>
    %broadcast_in_dim3A_25 = vector.shape_cast %reduce_sum3A_24 : vector<8832xf32> to vector<1x8832xf32>
    %log3A = math.log %broadcast_in_dim3A_25 : vector<1x8832xf32>
    %add3A_26 = arith.addf %broadcast_in_dim3A_22, %log3A : vector<1x8832xf32>
    %jit3A_27 = arith.constant 0 : i32
    %jit3A_28 = arith.constant 80 : i32
    %max3A = vector.broadcast %jit3A_27 : i32 to vector<1x8832xi32>
    %max3A_29 = arith.maxsi %max3A, %reshape3A : vector<1x8832xi32>
    %min3A = vector.broadcast %jit3A_28 : i32 to vector<1x8832xi32>
    %min3A_30 = arith.minsi %min3A, %max3A_29 : vector<1x8832xi32>
    %iota3A_31 = tpu.iota {dimensions = array<i32: 0>} : vector<81x8832xi32>
    %eq3A_32 = vector.broadcast %min3A_30 : vector<1x8832xi32> to vector<81x8832xi32>
    %eq3A_33 = arith.cmpi eq, %iota3A_31, %eq3A_32 : vector<81x8832xi32>
    %jit3A_34 = arith.constant 0.000000e+00 : f32
    %broadcast_in_dim3A_35 = vector.broadcast %jit3A_34 : f32 to vector<81x8832xf32>
    %select_n3A_36 = arith.select %eq3A_33, %dot_general3A_10, %broadcast_in_dim3A_35 : vector<81x8832xi1>, vector<81x8832xf32>
    %reduce_sum3A_37 = arith.constant dense<0.000000e+00> : vector<8832xf32>
    %reduce_sum3A_38 = vector.multi_reduction <add>, %select_n3A_36, %reduce_sum3A_37 [0] : vector<81x8832xf32> to vector<8832xf32>
    %broadcast_in_dim3A_39 = vector.shape_cast %reduce_sum3A_38 : vector<8832xf32> to vector<1x8832xf32>
    %sub3A_40 = arith.subf %add3A_26, %broadcast_in_dim3A_39 : vector<1x8832xf32>
    %jit3A_41 = arith.constant 0.000000e+00 : f32
    %broadcast_in_dim3A_42 = vector.broadcast %jit3A_41 : f32 to vector<1x8832xf32>
    %select_n3A_43 = arith.select %lt3A_20, %sub3A_40, %broadcast_in_dim3A_42 : vector<1x8832xi1>, vector<1x8832xf32>
    %gt3A = arith.constant 0 : i32
    %gt3A_44 = vector.broadcast %gt3A : i32 to vector<1x8832xi32>
    %gt3A_45 = arith.cmpi sgt, %reshape3A, %gt3A_44 : vector<1x8832xi32>
    %and3A = arith.andi %gt3A_45, %lt3A_20 : vector<1x8832xi1>
    %not3A = arith.constant dense<true> : vector<1x8832xi1>
    %not3A_46 = arith.xori %lt3A_20, %not3A : vector<1x8832xi1>
    %or3A = arith.ori %and3A, %not3A_46 : vector<1x8832xi1>
    %max3A_47 = arith.constant 0.000000e+00 : f32
    %max3A_48 = vector.broadcast %max3A_47 : f32 to vector<1x8832xf32>
    %max3A_49 = arith.maximumf %select_n3A_43, %max3A_48 : vector<1x8832xf32>
    %jit3A_50 = arith.constant -1.000000e+00 : f32
    %broadcast_in_dim3A_51 = vector.broadcast %jit3A_50 : f32 to vector<1x8832xf32>
    %select_n3A_52 = arith.select %or3A, %broadcast_in_dim3A_51, %max3A_49 : vector<1x8832xi1>, vector<1x8832xf32>
    %reshape3A_53 = vector.shape_cast %select_n3A_52 : vector<1x8832xf32> to vector<1x1x1x8832xf32>
    %swap3A = arith.constant 0 : index
    %swap3A_54 = arith.constant 0 : index
    %swap3A_55 = arith.constant 0 : index
    %swap3A_56 = arith.constant 0 : index
    %swap3A_57 = vector.load %arg7[%swap3A, %swap3A_54, %swap3A_55, %swap3A_56] : memref<1x1x1x8832xf32, #tpu.memory_space<vmem>>, vector<1x1x1x8832xf32>
    tpu.vector_store %arg7[%swap3A, %swap3A_54, %swap3A_55, %swap3A_56], %reshape3A_53 {strides = array<i32>} : memref<1x1x1x8832xf32, #tpu.memory_space<vmem>>, vector<1x1x1x8832xf32>,
    %jit3A_58 = arith.constant 1.000000e+00 : f32
    %jit3A_59 = arith.constant 0.000000e+00 : f32
    %broadcast_in_dim3A_60 = vector.broadcast %jit3A_58 : f32 to vector<1x8832xf32>
    %broadcast_in_dim3A_61 = vector.broadcast %jit3A_59 : f32 to vector<1x8832xf32>
    %select_n3A_62 = arith.select %and3A, %broadcast_in_dim3A_60, %broadcast_in_dim3A_61 : vector<1x8832xi1>, vector<1x8832xf32>
    %reduce_sum3A_63 = vector.shape_cast %select_n3A_62 : vector<1x8832xf32> to vector<1x1x8832xf32>
    %reduce_sum3A_64 = arith.constant dense<0.000000e+00> : vector<1xf32>
    %reduce_sum3A_65 = vector.multi_reduction <add>, %reduce_sum3A_63, %reduce_sum3A_64 [1, 2] : vector<1x1x8832xf32> to vector<1xf32>
    %reduce_sum3A_66 = vector.shape_cast %reduce_sum3A_65 : vector<1xf32> to vector<1x1x1xf32>
    %reduce_sum3A_67 = vector.extract %reduce_sum3A_66[0, 0, 0] : f32 from vector<1x1x1xf32>
    %jit3A_68 = arith.constant 0.000000e+00 : f32
    %broadcast_in_dim3A_69 = vector.broadcast %jit3A_68 : f32 to vector<1x8832xf32>
    %select_n3A_70 = arith.select %and3A, %select_n3A_43, %broadcast_in_dim3A_69 : vector<1x8832xi1>, vector<1x8832xf32>
    %reduce_sum3A_71 = vector.shape_cast %select_n3A_70 : vector<1x8832xf32> to vector<1x1x8832xf32>
    %reduce_sum3A_72 = arith.constant dense<0.000000e+00> : vector<1xf32>
    %reduce_sum3A_73 = vector.multi_reduction <add>, %reduce_sum3A_71, %reduce_sum3A_72 [1, 2] : vector<1x1x8832xf32> to vector<1xf32>
    %reduce_sum3A_74 = vector.shape_cast %reduce_sum3A_73 : vector<1xf32> to vector<1x1x1xf32>
    %reduce_sum3A_75 = vector.extract %reduce_sum3A_74[0, 0, 0] : f32 from vector<1x1x1xf32>
    %iota3A_76 = tpu.iota {dimensions = array<i32: 2>} : vector<1x1x128xi32>
    %eq3A_77 = arith.constant 0 : i32
    %eq3A_78 = vector.broadcast %eq3A_77 : i32 to vector<1x1x128xi32>
    %eq3A_79 = arith.cmpi eq, %iota3A_76, %eq3A_78 : vector<1x1x128xi32>
    %jit3A_80 = arith.constant 0.000000e+00 : f32
    %broadcast_in_dim3A_81 = vector.broadcast %reduce_sum3A_67 : f32 to vector<1x1x128xf32>
    %broadcast_in_dim3A_82 = vector.broadcast %jit3A_80 : f32 to vector<1x1x128xf32>
    %select_n3A_83 = arith.select %eq3A_79, %broadcast_in_dim3A_81, %broadcast_in_dim3A_82 : vector<1x1x128xi1>, vector<1x1x128xf32>
    %eq3A_84 = arith.constant 1 : i32
    %eq3A_85 = vector.broadcast %eq3A_84 : i32 to vector<1x1x128xi32>
    %eq3A_86 = arith.cmpi eq, %iota3A_76, %eq3A_85 : vector<1x1x128xi32>
    %jit3A_87 = arith.constant 0.000000e+00 : f32
    %broadcast_in_dim3A_88 = vector.broadcast %reduce_sum3A_75 : f32 to vector<1x1x128xf32>
    %broadcast_in_dim3A_89 = vector.broadcast %jit3A_87 : f32 to vector<1x1x128xf32>
    %select_n3A_90 = arith.select %eq3A_86, %broadcast_in_dim3A_88, %broadcast_in_dim3A_89 : vector<1x1x128xi1>, vector<1x1x128xf32>
    %add3A_91 = arith.addf %select_n3A_83, %select_n3A_90 : vector<1x1x128xf32>
    %get3A_92 = arith.constant 0 : index
    %get3A_93 = arith.constant 0 : index
    %get3A_94 = arith.constant 0 : index
    %get3A_95 = vector.load %arg8[%get3A_92, %get3A_93, %get3A_94] : memref<1x1x128xf32, #tpu.memory_space<vmem>>, vector<1x1x128xf32>
    %add3A_96 = arith.addf %get3A_95, %add3A_91 : vector<1x1x128xf32>
    %swap3A_97 = arith.constant 0 : index
    %swap3A_98 = arith.constant 0 : index
    %swap3A_99 = arith.constant 0 : index
    %swap3A_100 = vector.load %arg8[%swap3A_97, %swap3A_98, %swap3A_99] : memref<1x1x128xf32, #tpu.memory_space<vmem>>, vector<1x1x128xf32>
    tpu.vector_store %arg8[%swap3A_97, %swap3A_98, %swap3A_99], %add3A_96 {strides = array<i32>} : memref<1x1x128xf32, #tpu.memory_space<vmem>>, vector<1x1x128xf32>,
    return
  }
  func.func @transform_0(%arg0: i32, %arg1: i32) -> (i32, i32, i32) {
    %c0_i32 = arith.constant 0 : i32
    %c0_i32_0 = arith.constant 0 : i32
    return %arg0, %arg1, %c0_i32 : i32, i32, i32
  }
  func.func @transform_1(%arg0: i32, %arg1: i32) -> (i32, i32, i32, i32) {
    %c0_i32 = arith.constant 0 : i32
    %c0_i32_0 = arith.constant 0 : i32
    %c0_i32_1 = arith.constant 0 : i32
    return %arg0, %arg1, %c0_i32, %c0_i32_0 : i32, i32, i32, i32
  }
  func.func @transform_2(%arg0: i32, %arg1: i32) -> (i32, i32, i32) {
    %c0_i32 = arith.constant 0 : i32
    %c0_i32_0 = arith.constant 0 : i32
    %c0_i32_1 = arith.constant 0 : i32
    return %arg0, %c0_i32, %c0_i32_0 : i32, i32, i32
  }
  func.func @transform_3(%arg0: i32, %arg1: i32) -> (i32, i32, i32) {
    %c0_i32 = arith.constant 0 : i32
    %c0_i32_0 = arith.constant 0 : i32
    %c0_i32_1 = arith.constant 0 : i32
    return %arg0, %c0_i32, %c0_i32_0 : i32, i32, i32
  }
  func.func @transform_4(%arg0: i32, %arg1: i32) -> (i32, i32, i32) {
    %c0_i32 = arith.constant 0 : i32
    %c0_i32_0 = arith.constant 0 : i32
    %c0_i32_1 = arith.constant 0 : i32
    return %arg0, %c0_i32, %c0_i32_0 : i32, i32, i32
  }
  func.func @transform_5(%arg0: i32, %arg1: i32) -> (i32, i32, i32, i32) {
    %c0_i32 = arith.constant 0 : i32
    %c0_i32_0 = arith.constant 0 : i32
    %c0_i32_1 = arith.constant 0 : i32
    return %arg0, %arg1, %c0_i32, %c0_i32_0 : i32, i32, i32, i32
  }
  func.func @transform_6(%arg0: i32, %arg1: i32) -> (i32, i32, i32) {
    %c0_i32 = arith.constant 0 : i32
    %c0_i32_0 = arith.constant 0 : i32
    %c0_i32_1 = arith.constant 0 : i32
    return %arg0, %c0_i32, %c0_i32_0 : i32, i32, i32
  }
}

</mosaic_0001>

<sc_bundles>
// kernel: kernel.4.cloned.1.call-start
scs
__scs_entry_jumppad:
0x0: {  	(pc) =	sbr.rel $0x88, $3  }
0x1: {  	(tag) =	ssettag $0x0;
	lr =	simm.s32 $0x1  }
0x2: {  	[smem:$0x3F9D] =	sst lr;
	_ =	strace $0xD0000000  }
0x3: {  	_ = 	snop  }
0x4: {  	_ = 	snop  }
0x5: {  	_ = 	snop  }
0x6: {  	_ = 	snop  }
0x7: {  	_ = 	snop  }
__scs_overlays_trampoline_lowered:
0x8: {  	[smem:$0x3FAC] =	sst s0  }
0x9: {  	[smem:$0x3FAD] =	sst s1  }
0xa: {  	[smem:$0x3FAE] =	sst s2  }
0xb: {  	[smem:$0x3FAF] =	sst s3  }
0xc: {  	[smem:$0x3FB0] =	sst s4  }
0xd: {  	[smem:$0x3FB1] =	sst s5  }
0xe: {  	[smem:$0x3FB2] =	sst s6  }
0xf: {  	[smem:$0x3FB3] =	sst s7  }
0x10: {  	[smem:$0x3FB4] =	sst s8  }
0x11: {  	[smem:$0x3FB5] =	sst s9;
	s0 =	simm.s32 @!p0 $0x0  }
0x12: {  	s1 =	sld [smem:$0x3F9B];
	s0 =	simm.s32 @p0 $0x1  }
0x13: {  	[smem:$0x3FB6] =	sst s0;
	s0 =	simm.s32 @!p1 $0x0  }
0x14: {  	s2 =	sld [smem:$0x3F9A];
	s0 =	simm.s32 @p1 $0x1  }
0x15: {  	[smem:$0x3FB7] =	sst s0;
	s0 =	simm.s32 @!p2 $0x0  }
0x16: {  	s3 =	sld [smem:$0x3FDB];
	s0 =	simm.s32 @p2 $0x1  }
0x17: {  	s4 =	simm.s32 $0x1BF5;
	[smem:$0x3FB9] =	sst s0  }
0x18: {  	s0 =	sld [smem:$0x3F9C];
	_ =	swait.ge [sflag:s4], $0x0  }
0x19: {  	s7 =	sld [smem:$0x3F9D]  }
0x1a: {  	s8 =	sadd.s32 $0xFFFFE003, lr  }
0x1b: {  	s9 =	sadd.s32 $0xFFFFFEF7, lr;
	s5 =	simm.s32 $0xFFFFFFFF;
	p2 =	slt.u32 s8, $0xFFFFF086  }
0x1c: {  	p1 =	slt.u32 s9, $0xF7A;
	s5 =	simm.s32 @!p2 $0x0  }
0x1d: {  	s5 =	simm.s32 @p1 $0x1;
	p0 =	seq.s32 s7, s2  }
0x1e: {  	s7 =	smul.u32 @!p0 $0xF7A, s2;
	p2 =	seq.s32 @!p0 s5, $0x0  }
0x1f: {  	s9 =	smul.u32 $0xF7A, s1;
	s8 =	simm.s32 @!p0 $0x1BF5;
	p2 =	por !p2, p0  }
0x20: {  	[sflag:s8] =	ssyncset.s32 @!p0 $0xFFFFF086;
	s6 =	sadd.s32 @!p0 s3, s7;
	s7 =	simm.s32 @!p0 $0x108  }
0x21: {  	s3 =	sadd.s32 s3, s9;
	s6 =	sadd.s32 @!p0 $0x88, s6;
	s7 =	simm.s32 @p2 $0x1082  }
0x22: {  	[simem:s7], [sflag:s8] =	dma.local @!p0 [hbm:s6], $0xF7A  }
0x23: {  	s9 =	sor.u32 $0xD0000000, s2;
	s6 =	simm.s32 $0x108;
	_ =	swait.ge @!p0 [sflag:s8], $0x0  }
0x24: {  	s3 =	sadd.s32 $0x88, s3;
	s6 =	simm.s32 @!p1 $0x1082;
	[sflag:s4] =	ssyncset.s32 $0xFFFFF086  }
0x25: {  	[simem:s6], [sflag:s4] =	dma.local [hbm:s3], $0xF7A  }
0x26: {  	[smem:$0x3F9D] =	sst s1;
	(tag) =	ssettag s2;
	_ =	strace s9  }
0x27: {  	s1 =	sld [smem:$0x3FAD]  }
0x28: {  	s2 =	sld [smem:$0x3FAE]  }
0x29: {  	s4 =	sld [smem:$0x3FB0]  }
0x2a: {  	p0 =	seq.s32 s5, $0x0;
	s5 =	sld [smem:$0x3FB1]  }
0x2b: {  	s6 =	sld [smem:$0x3FB2]  }
0x2c: {  	s7 =	sld [smem:$0x3FB3]  }
0x2d: {  	s3 =	simm.s32 $0x108;
	s8 =	sld [smem:$0x3FB4]  }
0x2e: {  	s3 =	simm.s32 @!p0 $0x1082;
	s9 =	sld [smem:$0x3FB5]  }
0x2f: {  	lr =	sadd.s32 s0, s3;
	s0 =	sld [smem:$0x3FAC]  }
0x30: {  	s3 =	sld [smem:$0x3FAF]  }
0x31: {  	[smem:$0x3FB8] =	sst s10  }
0x32: {  	s10 =	sld [smem:$0x3FB6];
	_ =	sdelay $0x3  }
0x33: {  	p0 =	seq.s32 s10, $0x1;
	s10 =	sld [smem:$0x3FB8];
	_ =	sdelay $0x3  }
0x34: {  	[smem:$0x3FB8] =	sst s10  }
0x35: {  	s10 =	sld [smem:$0x3FB7];
	_ =	sdelay $0x3  }
0x36: {  	p1 =	seq.s32 s10, $0x1;
	s10 =	sld [smem:$0x3FB8];
	_ =	sdelay $0x3  }
0x37: {  	[smem:$0x3FB8] =	sst s10  }
0x38: {  	s10 =	sld [smem:$0x3FB9]  }
0x39: {  	_ = 	snop;
	(pc) =	sbr.ind lr, $3  }
0x3a: {  	_ = 	snop  }
0x3b: {  	_ = 	snop  }
0x3c: {  	p2 =	seq.s32 s10, $0x1;
	s10 =	sld [smem:$0x3FB8]  }
0x3d: {  	_ =	shalt  }
0x3e: {  	_ =	shalt  }
0x3f: {  	_ =	shalt  }
0x40: {  	_ =	shalt  }
0x41: {  	_ =	shalt  }
0x42: {  	_ =	shalt  }
0x43: {  	_ =	shalt  }
0x44: {  	_ =	shalt  }
0x45: {  	_ =	shalt  }
0x46: {  	_ =	shalt  }
0x47: {  	_ =	shalt  }
0x48: {  	_ =	shalt  }
0x49: {  	_ =	shalt  }
0x4a: {  	_ =	shalt  }
0x4b: {  	_ =	shalt  }
0x4c: {  	_ =	shalt  }
0x4d: {  	_ =	shalt  }
0x4e: {  	_ =	shalt  }
0x4f: {  	_ =	shalt  }
0x50: {  	_ =	shalt  }
0x51: {  	_ =	shalt  }
0x52: {  	_ =	shalt  }
0x53: {  	_ =	shalt  }
0x54: {  	_ =	shalt  }
0x55: {  	_ =	shalt  }
0x56: {  	_ =	shalt  }
0x57: {  	_ =	shalt  }
0x58: {  	_ =	shalt  }
0x59: {  	_ =	shalt  }
0x5a: {  	_ =	shalt  }
0x5b: {  	_ =	shalt  }
0x5c: {  	_ =	shalt  }
0x5d: {  	_ =	shalt  }
0x5e: {  	_ =	shalt  }
0x5f: {  	_ =	shalt  }
0x60: {  	_ =	shalt  }
0x61: {  	_ =	shalt  }
0x62: {  	_ =	shalt  }
0x63: {  	_ =	shalt  }
0x64: {  	_ =	shalt  }
0x65: {  	_ =	shalt  }
0x66: {  	_ =	shalt  }
0x67: {  	_ =	shalt  }
0x68: {  	_ =	shalt  }
0x69: {  	_ =	shalt  }
0x6a: {  	_ =	shalt  }
0x6b: {  	_ =	shalt  }
0x6c: {  	_ =	shalt  }
0x6d: {  	_ =	shalt  }
0x6e: {  	_ =	shalt  }
0x6f: {  	_ =	shalt  }
0x70: {  	_ =	shalt  }
0x71: {  	_ =	shalt  }
0x72: {  	_ =	shalt  }
0x73: {  	_ =	shalt  }
0x74: {  	_ =	shalt  }
0x75: {  	_ =	shalt  }
0x76: {  	_ =	shalt  }
0x77: {  	_ =	shalt  }
0x78: {  	_ =	shalt  }
0x79: {  	_ =	shalt  }
0x7a: {  	_ =	shalt  }
0x7b: {  	_ =	shalt  }
0x7c: {  	_ =	shalt  }
0x7d: {  	_ =	shalt  }
0x7e: {  	_ =	shalt  }
0x7f: {  	_ =	shalt  }
0x80: {  	_ =	shalt  }
0x81: {  	_ =	shalt  }
0x82: {  	_ =	shalt  }
0x83: {  	_ =	shalt  }
0x84: {  	_ =	shalt  }
0x85: {  	_ =	shalt  }
0x86: {  	_ =	shalt  }
0x87: {  	_ =	shalt  }
.Lfunc_end0:
.L_simem_size_0:
called_computation_lowered:
.L_overlay_start_0:
0x88: {  	s2 =	sld [smem:$0x3FD9]  }
0x89: {  	s3 =	sld [smem:$0x3FFE];
	_ =	sdelay $0x1  }
0x8a: {  	s1 =	srdreg.scid  }
0x8b: {  	s0 =	sand.u32 $0x1, s1  }
0x8c: {  	s16 =	sshll.u32 s0, $0xA;
	s2 =	sadd.s32 s3, s2  }
0x8d: {  	s2 =	sadd.s32 s2, s16  }
0x8e: {  	[smem:$0x3FC4] =	sst s2  }
0x8f: {  	_ = 	snop  }
0x90: {  	(tm) =	ssettm $0x1  }
0x91: {  	s17 =	sld [smem:$0x3FFB];
	_ =	sdelay $0x3  }
0x92: {  	_ =	strace s17  }
0x93: {  	s2 =	sld [smem:$0x3FFC];
	_ =	sdelay $0x3  }
0x94: {  	_ =	strace s2  }
0x95: {  	s2 =	sld [smem:$0x3FFD];
	_ =	sdelay $0x3  }
0x96: {  	_ =	strace s2  }
0x97: {  	_ =	strace $0x8FFFFFFF  }
0x98: {  	s18 =	sld [smem:$0x3FDB];
	_ =	sdelay $0x1  }
0x99: {  	s19 =	simm.s32 $_scs_section_size  }
0x9a: {  	s4 =	simm.s32 $_size__tile_overlayer_lowered;
	s5 =	simm.s32 $_tile_overlayer_lowered  }
0x9b: {  	s22 =	simm.s32 $0x1BFF;
	s21 =	sshll.u32 s5, $0x1;
	s2 =	sadd.s32 s19, s18  }
0x9c: {  	s6 =	simm.s32 $0x0;
	s20 =	sshll.u32 s4, $0x1;
	s4 =	sadd.s32 s21, s2  }
0x9d: {  	[timem:s6], [sflag:s22] =	dma.local [hbm:s4], s20  }
0x9e: {  	_ =	swait.ge [sflag:s22], s20  }
0x9f: {  	s3 =	ssub.s32 $0x0, s20;
	[sflag:s22] =	ssyncset.done $0x0  }
0xa0: {  	[sflag:s22] =	ssyncadd.s32 s3;
	_ =	sdelay $0x1  }
0xa1: {  	s23 =	simm.s32 $0x1B8B  }
0xa2: {  	_ =	swait.ge [sflag:s23], $0x1  }
0xa3: {  	[sflag:s23] =	ssyncset.done $0x0  }
0xa4: {  	s25 =	simm.s32 $0x1B8E;
	s24 =	sld [smem:$0x3FFE];
	[sflag:s23] =	ssyncadd.s32 $0xFFFFFFFF  }
0xa5: {  	s26 =	simm.s32 $execute0_lowered;
	[smem:$0x3FD2] =	sst s25  }
0xa6: {  	s4 =	sshll.u32 s26, $0x1;
	_ =	strace $0x80000046;
	[dreg:$0x1] =	wrdreg $0xFFFFFFFF  }
0xa7: {  	s28 =	simm.s32 $_size_execute0_lowered;
	s2 =	sadd.s32 s2, s4;
	[dreg:$0x0] =	wrdreg $0x0  }
0xa8: {  	s4 =	sshll.u32 s28, $0x1;
	[dreg:$0x2] =	wrdreg s2  }
0xa9: {  	[dreg:$0x3] =	wrdreg s4  }
0xaa: {  	[dreg:$0x4] =	wrdreg $0xC0  }
0xab: {  	_ =	task [dreg:s6], $0x5FFFF  }
0xac: {  	[dreg:$0x1] =	wrdreg $0xFFFFFFFF  }
0xad: {  	[dreg:$0x0] =	wrdreg $0x60  }
0xae: {  	[dreg:$0x2] =	wrdreg s24  }
0xaf: {  	[dreg:$0x3] =	wrdreg $0x9  }
0xb0: {  	_ =	task.clear_ibuf [dreg:s6], $0x4FFFF;
	_ =	strace $0x90000046  }
0xb1: {  	s29 =	simm.s32 $0x9;
	_ =	strace $0x80000048  }
0xb2: {  	_ =	swait.ge [sflag:s29], $0x1  }
0xb3: {  	[sflag:s29] =	ssyncadd.s32 $0xFFFFFFFF  }
0xb4: {  	_ =	strace $0x90000048  }
0xb5: {  	_ =	sfence  }
0xb6: {  	s30 =	sld [smem:$0x0];
	_ =	sdelay $0x2  }
0xb7: {  	s31 =	sshll.u32 s1, $0xD;
	s1 =	sshrl.u32 s1, $0x2  }
0xb8: {  	s3 =	sand.u32 $0x4000, s31;
	s1 =	sadd.s32 s1, s30  }
0xb9: {  	s0 =	sor.u32 s3, s0;
	s1 =	sshll.u32 s1, $0x11  }
0xba: {  	s0 =	sor.u32 s1, s0  }
0xbb: {  	s0 =	sadd.s32 $0x8F2B, s0  }
0xbc: {  	[sflag:s0] =	ssyncadd.remote.s32 $0x1  }
0xbd: {  	_ =	sfence.sel $0xFFFF  }
0xbe: {  	[dreg:$0x0] =	wrdreg $0xFFFFFFFF;
	(pc) =	sbr.abs _section_cstart, $3  }
0xbf: {  	[dreg:$0x1] =	wrdreg $0xFFFFFFFF  }
0xc0: {  	_ =	task.clear_ibuf [dreg:s6], $0x2FFFF;
	_ =	strace $0x9FFFFFFF  }
0xc1: {  	(tm) =	ssettm $0x7FFFFFFF  }
tec
execute0_lowered:
.L_overlay_start_1:
0x0: {  	(tag) =	ssettag $0x1  }
0x1: {  	s3 =	rddreg [dreg:$0x0]  }
0x2: {  	s2 =	simm.s32 $0x0;
	s4 =	srdreg.scid;
	s0 =	stileid.u32  }
0x3: {  	s29 =	simm.s32 $0x80;
	s30 =	simm.s32 $0x400;
	s8 =	simm.s32 $0x1  }
0x4: {  	s9 =	simm.s32 $0x2280;
	s10 =	simm.s32 $0x0;
	s4 =	sand.u32 $0x1, s4  }
0x5: {  	s5 =	sshll.u32 s0, $0x8;
	s6 =	sshrl.u32 s0, $0x2;
	s7 =	sshll.u32 s4, $0x7  }
0x6: {  	s5 =	sand.u32 $0x300, s5;
	s26 =	sshll.u32 s6, $0xA;
	s6 =	smul.u32 $0x11400, s6  }
.Ltmp0:
0x7: {  	[smem:$0x7FF] =	sst s2;
	s5 =	sor.u32 s7, s5;
	(pc) =	sbr.rel .LBB2_1-.Ltmp0, $4  }
0x8: {  	_ =	strace $0x80000047;
	s4 =	ssub.s32 $0x2, s4;
	s7 =	sor.u32 s26, s5  }
0x9: {  	s31 =	sshrl.u32 s4, $0x1;
	s5 =	sor.u32 s6, s5;
	s7 =	sshrl.u32 s7, $0x3  }
0xa: {  	s5 =	sshrl.u32 s5, $0x3;
	s28 =	sadd.s32 s7, s3;
	s7 =	ssub.s32 s4, s31  }
0xb: {  	v0 =	vimm.f32 $0.0e+00;
	s3 =	sadd.s32 s3, s5;
	s4 =	sadd.s32 $0x8A00, s28;
	s5 =	smax.u32 s7, $0x1  }
.LBB2_22:
0xc: {  	s14 =	simm.f32 @p0 $0.0e+00  }
.LBB2_19:
0xd: {  	v1 =	vmov s15;
	s10 =	sadd.s32 $0x1, s10  }
0xe: {  	[tilespmem:$0x2280] =	vst v1;
	v1 =	vmov s14;
	p0 =	sne.s32 s10, s5  }
.Ltmp1:
0xf: {  	[tilespmem:$0x2290] =	vst v1;
	(pc) =	sbr.rel @!p0 .LBB2_20-.Ltmp1, $4  }
0x10: {  	[hbm4b:s4+s2] =	stream.linear.scatter [tilespmem:s9], [sflag:$0x1], $0x80, $0x38;
	[tilespmem:$0x2300] =	vst v63  }
0x11: {  	_ =	swait.ge [sflag:s8], $0x80  }
0x12: {  	[sflag:s8] =	ssyncset.done $0x0  }
0x13: {  	[sflag:s8] =	ssyncadd.s32 $0xFFFFFF80  }
.LBB2_1:
0x14: {  	[tilespmem:s2], [sflag:$0x1] =	stream.strided.gather [hbm4b:s3+s29], $0x2280, s30, s29, $0x38;
	[tilespmem:$0x2300] =	vst v63  }
0x15: {  	_ =	swait.ge [sflag:s8], $0x2280  }
0x16: {  	[sflag:s8] =	ssyncset.done $0x0  }
0x17: {  	s12 =	simm.s32 $0x0;
	[sflag:s8] =	ssyncadd.s32 $0xFFFFDD80  }
0x18: {  	v3 =	vld [tilespmem:s12+$0x0]  }
0x19: {  	s11 =	simm.s32 $0x40;
	v4 =	vimm.f32 $0.0e+00;
	v2 =	vimm.f32 $0.0e+00;
	v1 =	vimm.f32 $0.0e+00  }
.LBB2_2:
0x1a: {  	p0 =	sne.s32 s11, $0x89C0  }
.Ltmp2:
0x1b: {  	_ = 	snop;
	(pc) =	sbr.rel @p0 .LBB2_2-.Ltmp2, $4  }
0x1c: {  	_ = 	snop  }
0x1d: {  	s12 =	sshra.s32 s11, $0x2;
	s11 =	sadd.s32 $0x40, s11;
	vm0 =	vge.f32 v3, $0.0e+00  }
0x1e: {  	v5 =	vsel vm0, $0x3F800000, v0;
	v6 =	vnsel vm0, $0x0, v3;
	v3 =	vld [tilespmem:s12+$0x0]  }
0x1f: {  	v4 =	vadd.f32 v5, v4;
	v2 =	vadd.f32 v6, v2;
	v1 =	vmax.f32 v1, v6  }
0x20: {  	_ =	sdelay $0x2  }
0x21: {  	vm0 =	vge.f32 v3, $0.0e+00  }
0x22: {  	v5 =	vsel vm0, $0x3F800000, v0  }
0x23: {  	v4 =	vadd.f32 v5, v4;
	_ =	sdelay $0x1  }
0x24: {  	(v2sf) =	vpush v4, $0x0  }
0x25: {  	(v2sf) =	vpush v4, $0x1  }
0x26: {  	(v2sf) =	vpush v4, $0x2  }
0x27: {  	(v2sf) =	vpush v4, $0x3  }
0x28: {  	(v2sf) =	vpush v4, $0x4  }
0x29: {  	(v2sf) =	vpush v4, $0x5  }
0x2a: {  	(v2sf) =	vpush v4, $0x6  }
0x2b: {  	(v2sf) =	vpush v4, $0x7  }
0x2c: {  	(v2sf) =	vpush v4, $0x8  }
0x2d: {  	(v2sf) =	vpush v4, $0x9  }
0x2e: {  	(v2sf) =	vpush v4, $0xA  }
0x2f: {  	(v2sf) =	vpush v4, $0xB  }
0x30: {  	(v2sf) =	vpush v4, $0xC  }
0x31: {  	v3 =	vnsel vm0, $0x0, v3;
	(v2sf) =	vpush v4, $0xD  }
0x32: {  	v2 =	vadd.f32 v3, v2;
	(v2sf) =	vpush v4, $0xE  }
0x33: {  	s11 =	spop (v2sf);
	(v2sf) =	vpush v4, $0xF  }
0x34: {  	s12 =	spop (v2sf);
	(v2sf) =	vpush v2, $0x0  }
0x35: {  	s13 =	spop (v2sf);
	(v2sf) =	vpush v2, $0x1  }
0x36: {  	s14 =	spop (v2sf)  }
0x37: {  	(v2sf) =	vpush v2, $0x2;
	s15 =	spop (v2sf)  }
0x38: {  	s16 =	spop (v2sf)  }
0x39: {  	(v2sf) =	vpush v2, $0x3;
	s17 =	spop (v2sf)  }
0x3a: {  	s18 =	spop (v2sf)  }
0x3b: {  	(v2sf) =	vpush v2, $0x4;
	s19 =	spop (v2sf)  }
0x3c: {  	s20 =	spop (v2sf)  }
0x3d: {  	(v2sf) =	vpush v2, $0x5;
	s21 =	spop (v2sf)  }
0x3e: {  	s11 =	sadd.f32 s12, s11;
	s25 =	spop (v2sf)  }
0x3f: {  	(v2sf) =	vpush v2, $0x6;
	s22 =	spop (v2sf)  }
0x40: {  	s11 =	sadd.f32 s11, s13;
	(v2sf) =	vpush v2, $0x7;
	s26 =	spop (v2sf)  }
0x41: {  	(v2sf) =	vpush v2, $0x8;
	s23 =	spop (v2sf)  }
0x42: {  	s11 =	sadd.f32 s11, s14;
	s14 =	spop (v2sf);
	(v2sf) =	vpush v2, $0x9  }
0x43: {  	s24 =	spop (v2sf);
	(v2sf) =	vpush v2, $0xA  }
0x44: {  	s11 =	sadd.f32 s11, s15;
	s28 =	spop (v2sf);
	(v2sf) =	vpush v2, $0xB  }
0x45: {  	s15 =	sadd.f32 s28, s24;
	(v2sf) =	vpush v2, $0xC  }
0x46: {  	s11 =	sadd.f32 s11, s16;
	s31 =	spop (v2sf);
	(v2sf) =	vpush v2, $0xD  }
0x47: {  	s15 =	sadd.f32 s15, s31;
	(v2sf) =	vpush v2, $0xE  }
0x48: {  	v1 =	vmax.f32 v1, v3;
	s11 =	sadd.f32 s11, s17;
	s0 =	spop (v2sf);
	(v2sf) =	vpush v2, $0xF  }
0x49: {  	s15 =	sadd.f32 s15, s0;
	(v2sf) =	vpush v1, $0x0  }
0x4a: {  	s11 =	sadd.f32 s11, s18;
	s1 =	spop (v2sf);
	(v2sf) =	vpush v1, $0x1  }
0x4b: {  	s15 =	sadd.f32 s15, s1;
	(v2sf) =	vpush v1, $0x2  }
0x4c: {  	s11 =	sadd.f32 s11, s19;
	s6 =	spop (v2sf)  }
0x4d: {  	(v2sf) =	vpush v1, $0x3;
	s15 =	sadd.f32 s15, s6  }
0x4e: {  	s11 =	sadd.f32 s11, s20;
	s7 =	spop (v2sf);
	(v2sf) =	vpush v1, $0x4  }
0x4f: {  	s17 =	spop (v2sf);
	(v2sf) =	vpush v1, $0x5;
	s15 =	sadd.f32 s15, s7  }
0x50: {  	s11 =	sadd.f32 s11, s21;
	s18 =	spop (v2sf)  }
0x51: {  	(v2sf) =	vpush v1, $0x6;
	s15 =	sadd.f32 s15, s17;
	s19 =	spop (v2sf)  }
0x52: {  	s11 =	sadd.f32 s11, s25;
	(v2sf) =	vpush v1, $0x7;
	s20 =	spop (v2sf)  }
0x53: {  	s15 =	sadd.f32 s15, s18;
	s21 =	spop (v2sf)  }
0x54: {  	s11 =	sadd.f32 s11, s22;
	(v2sf) =	vpush v1, $0x8;
	s24 =	spop (v2sf)  }
0x55: {  	(v2sf) =	vpush v1, $0x9;
	s15 =	sadd.f32 s15, s19;
	s16 =	spop (v2sf)  }
0x56: {  	s11 =	sadd.f32 s11, s26;
	s19 =	spop (v2sf)  }
0x57: {  	(v2sf) =	vpush v1, $0xA;
	s12 =	sadd.f32 s15, s20;
	s20 =	spop (v2sf)  }
0x58: {  	s11 =	sadd.f32 s11, s23;
	(v2sf) =	vpush v1, $0xB;
	s25 =	spop (v2sf)  }
0x59: {  	s15 =	sadd.f32 s12, s21;
	s26 =	spop (v2sf)  }
0x5a: {  	(v2sf) =	vpush v1, $0xC;
	s12 =	sadd.f32 s11, s14;
	s28 =	spop (v2sf)  }
0x5b: {  	(v2sf) =	vpush v1, $0xD;
	s13 =	smax.f32 s25, s26;
	s31 =	sadd.f32 s15, s24  }
0x5c: {  	s0 =	spop (v2sf);
	(v2sf) =	vpush v1, $0xE;
	s11 =	smax.f32 s13, s28  }
0x5d: {  	s13 =	ssub.f32 $8.732000000e+03, s12;
	s1 =	spop (v2sf);
	(v2sf) =	vpush v1, $0xF  }
0x5e: {  	s11 =	smax.f32 s11, s0;
	s6 =	spop (v2sf)  }
0x5f: {  	s11 =	smax.f32 s11, s1;
	s15 =	smul.f32 $3.000000000e+00, s13  }
0x60: {  	s14 =	sadd.f32 s31, s16;
	s7 =	spop (v2sf)  }
0x61: {  	s11 =	smax.f32 s11, s6;
	s18 =	spop (v2sf)  }
0x62: {  	s11 =	smax.f32 s11, s7;
	p0 =	slt.f32 s15, $5.000000000e-01  }
0x63: {  	s14 =	sadd.f32 s14, s19;
	s21 =	spop (v2sf)  }
0x64: {  	s11 =	smax.f32 s11, s18;
	s22 =	spop (v2sf)  }
0x65: {  	s11 =	smax.f32 s11, s21;
	p1 =	sge.f32 @!p0 s15, s12  }
0x66: {  	s23 =	spop (v2sf);
	s11 =	smax.f32 s11, s22  }
0x67: {  	s11 =	smax.f32 s11, s23;
	s24 =	spop (v2sf)  }
0x68: {  	s14 =	sadd.f32 s14, s20;
	p1 =	por p0, p1;
	s11 =	smax.f32 s11, s24  }
.Ltmp3:
0x69: {  	s25 =	spop (v2sf);
	(pc) =	sbr.rel @p1 .LBB2_21-.Ltmp3, $4  }
0x6a: {  	s11 =	smax.f32 s11, s25;
	s26 =	spop (v2sf)  }
0x6b: {  	s11 =	smax.f32 s11, s26;
	s28 =	spop (v2sf)  }
0x6c: {  	s11 =	smax.f32 s11, s28;
	s31 =	spop (v2sf)  }
0x6d: {  	s11 =	smax.f32 s11, s31  }
0x6e: {  	s17 =	simm.s32 @!p0 $0x0;
	s18 =	simm.f32 @!p0 $-1.000000000e+00;
	s19 =	smov.u32 s11  }
.LBB2_5:
0x6f: {  	s16 =	sadd.f32 s19, s18;
	_ =	sdelay $0x1  }
0x70: {  	s21 =	simm.s32 $0x0;
	s16 =	smul.f32 $5.000000000e-01, s16  }
0x71: {  	v3 =	vld [tilespmem:s21+$0x0]  }
0x72: {  	v1 =	vimm.f32 $0.0e+00;
	s20 =	simm.s32 $0x40;
	v2 =	vmov s16  }
.LBB2_6:
0x73: {  	p0 =	sne.s32 s20, $0x89C0  }
.Ltmp4:
0x74: {  	_ = 	snop;
	(pc) =	sbr.rel @p0 .LBB2_6-.Ltmp4, $4  }
0x75: {  	_ = 	snop  }
0x76: {  	s21 =	sshra.s32 s20, $0x2;
	s20 =	sadd.s32 $0x40, s20;
	vm0 =	vgt.f32 v3, v2  }
0x77: {  	v3 =	vld [tilespmem:s21+$0x0];
	v4 =	vsel vm0, $0x3F800000, v0  }
0x78: {  	v1 =	vadd.f32 v4, v1  }
0x79: {  	_ =	sdelay $0x2  }
0x7a: {  	vm0 =	vgt.f32 v3, v2  }
0x7b: {  	v2 =	vsel vm0, $0x3F800000, v0  }
0x7c: {  	v1 =	vadd.f32 v2, v1;
	_ =	sdelay $0x1  }
0x7d: {  	(v2sf) =	vpush v1, $0x0  }
0x7e: {  	(v2sf) =	vpush v1, $0x1;
	_ =	sdelay $0x1  }
0x7f: {  	(v2sf) =	vpush v1, $0x2;
	_ =	sdelay $0x1  }
0x80: {  	(v2sf) =	vpush v1, $0x3;
	_ =	sdelay $0x1  }
0x81: {  	(v2sf) =	vpush v1, $0x4;
	_ =	sdelay $0x1  }
0x82: {  	(v2sf) =	vpush v1, $0x5;
	_ =	sdelay $0x1  }
0x83: {  	(v2sf) =	vpush v1, $0x6;
	_ =	sdelay $0x1  }
0x84: {  	(v2sf) =	vpush v1, $0x7;
	_ =	sdelay $0x1  }
0x85: {  	s20 =	spop (v2sf);
	(v2sf) =	vpush v1, $0x8  }
0x86: {  	s21 =	spop (v2sf)  }
0x87: {  	(v2sf) =	vpush v1, $0x9;
	s20 =	sadd.f32 s21, s20  }
0x88: {  	s31 =	spop (v2sf)  }
0x89: {  	(v2sf) =	vpush v1, $0xA;
	s20 =	sadd.f32 s20, s31  }
0x8a: {  	s0 =	spop (v2sf)  }
0x8b: {  	(v2sf) =	vpush v1, $0xB;
	s20 =	sadd.f32 s20, s0  }
0x8c: {  	s1 =	spop (v2sf)  }
0x8d: {  	(v2sf) =	vpush v1, $0xC;
	s20 =	sadd.f32 s20, s1  }
0x8e: {  	s6 =	spop (v2sf)  }
0x8f: {  	(v2sf) =	vpush v1, $0xD;
	s20 =	sadd.f32 s20, s6  }
0x90: {  	s7 =	spop (v2sf)  }
0x91: {  	(v2sf) =	vpush v1, $0xE;
	s20 =	sadd.f32 s20, s7  }
0x92: {  	s22 =	spop (v2sf)  }
0x93: {  	(v2sf) =	vpush v1, $0xF;
	s20 =	sadd.f32 s20, s22  }
0x94: {  	s23 =	spop (v2sf)  }
0x95: {  	s20 =	sadd.f32 s20, s23  }
0x96: {  	s24 =	spop (v2sf)  }
0x97: {  	s20 =	sadd.f32 s20, s24  }
0x98: {  	s25 =	spop (v2sf)  }
0x99: {  	s20 =	sadd.f32 s20, s25  }
0x9a: {  	s26 =	spop (v2sf)  }
0x9b: {  	s20 =	sadd.f32 s20, s26  }
0x9c: {  	s28 =	spop (v2sf)  }
0x9d: {  	s20 =	sadd.f32 s20, s28  }
0x9e: {  	s29 =	spop (v2sf)  }
0x9f: {  	s20 =	sadd.f32 s20, s29  }
0xa0: {  	s30 =	spop (v2sf)  }
0xa1: {  	s20 =	sadd.f32 s20, s30  }
0xa2: {  	s31 =	spop (v2sf)  }
0xa3: {  	s20 =	sadd.f32 s20, s31;
	_ =	sdelay $0x1  }
0xa4: {  	p0 =	sge.f32 s20, s15  }
0xa5: {  	s17 =	sadd.s32 $0x1, s17  }
0xa6: {  	s18 =	smov.u32 @p0 s16;
	s16 =	smov.u32 @p0 s19;
	p0 =	seq.s32 s17, $0x28  }
.Ltmp5:
0xa7: {  	_ = 	snop;
	(pc) =	sbr.rel @!p0 .LBB2_5-.Ltmp5, $2  }
0xa8: {  	_ =	sdelay $0x2  }
0xa9: {  	s19 =	smov.u32 s16  }
0xaa: {  	s18 =	simm.s32 $0x0  }
0xab: {  	v4 =	vld [tilespmem:s18+$0x0]  }
0xac: {  	v2 =	vmov s16;
	v1 =	vimm.f32 $0.0e+00;
	s17 =	simm.s32 $0x40;
	v3 =	vimm.f32 $0.0e+00  }
.LBB2_9:
0xad: {  	p0 =	sne.s32 s17, $0x89C0  }
.Ltmp6:
0xae: {  	_ = 	snop;
	(pc) =	sbr.rel @p0 .LBB2_9-.Ltmp6, $4  }
0xaf: {  	_ = 	snop  }
0xb0: {  	s18 =	sshra.s32 s17, $0x2;
	s17 =	sadd.s32 $0x40, s17;
	vm0 =	vgt.f32 v4, v2  }
0xb1: {  	v5 =	vsel vm0, $0x3F800000, v0;
	v6 =	vnsel vm0, $0x0, v4;
	v4 =	vld [tilespmem:s18+$0x0]  }
0xb2: {  	v1 =	vadd.f32 v5, v1;
	v3 =	vadd.f32 v6, v3  }
0xb3: {  	_ =	sdelay $0x2  }
0xb4: {  	vm0 =	vgt.f32 v4, v2  }
0xb5: {  	v2 =	vnsel vm0, $0x0, v4  }
0xb6: {  	v2 =	vadd.f32 v2, v3;
	_ =	sdelay $0x1  }
0xb7: {  	(v2sf) =	vpush v2, $0x0  }
0xb8: {  	(v2sf) =	vpush v2, $0x1  }
0xb9: {  	(v2sf) =	vpush v2, $0x2  }
0xba: {  	(v2sf) =	vpush v2, $0x3  }
0xbb: {  	(v2sf) =	vpush v2, $0x4  }
0xbc: {  	(v2sf) =	vpush v2, $0x5  }
0xbd: {  	(v2sf) =	vpush v2, $0x6  }
0xbe: {  	(v2sf) =	vpush v2, $0x7  }
0xbf: {  	(v2sf) =	vpush v2, $0x8  }
0xc0: {  	(v2sf) =	vpush v2, $0x9  }
0xc1: {  	(v2sf) =	vpush v2, $0xA  }
0xc2: {  	(v2sf) =	vpush v2, $0xB  }
0xc3: {  	(v2sf) =	vpush v2, $0xC  }
0xc4: {  	v3 =	vsel vm0, $0x3F800000, v0;
	(v2sf) =	vpush v2, $0xD  }
0xc5: {  	v1 =	vadd.f32 v3, v1;
	(v2sf) =	vpush v2, $0xE  }
0xc6: {  	s17 =	spop (v2sf);
	(v2sf) =	vpush v2, $0xF  }
0xc7: {  	s18 =	spop (v2sf);
	(v2sf) =	vpush v1, $0x0  }
0xc8: {  	s19 =	spop (v2sf);
	(v2sf) =	vpush v1, $0x1  }
0xc9: {  	s20 =	spop (v2sf)  }
0xca: {  	(v2sf) =	vpush v1, $0x2;
	s21 =	spop (v2sf)  }
0xcb: {  	s22 =	spop (v2sf)  }
0xcc: {  	(v2sf) =	vpush v1, $0x3;
	s23 =	spop (v2sf)  }
0xcd: {  	s24 =	spop (v2sf)  }
0xce: {  	(v2sf) =	vpush v1, $0x4;
	s25 =	spop (v2sf)  }
0xcf: {  	s26 =	spop (v2sf)  }
0xd0: {  	(v2sf) =	vpush v1, $0x5;
	s28 =	spop (v2sf)  }
0xd1: {  	s29 =	spop (v2sf)  }
0xd2: {  	(v2sf) =	vpush v1, $0x6;
	s30 =	spop (v2sf)  }
0xd3: {  	s31 =	spop (v2sf)  }
0xd4: {  	(v2sf) =	vpush v1, $0x7;
	s0 =	spop (v2sf)  }
0xd5: {  	s1 =	spop (v2sf)  }
0xd6: {  	(v2sf) =	vpush v1, $0x8;
	s6 =	spop (v2sf)  }
0xd7: {  	s7 =	spop (v2sf)  }
0xd8: {  	(v2sf) =	vpush v1, $0x9;
	s6 =	sadd.f32 s7, s6  }
0xd9: {  	s7 =	spop (v2sf)  }
0xda: {  	(v2sf) =	vpush v1, $0xA;
	s6 =	sadd.f32 s6, s7  }
0xdb: {  	s7 =	sadd.f32 s18, s17;
	s18 =	spop (v2sf)  }
0xdc: {  	(v2sf) =	vpush v1, $0xB;
	s6 =	sadd.f32 s6, s18  }
0xdd: {  	s7 =	sadd.f32 s7, s19;
	s19 =	spop (v2sf)  }
0xde: {  	(v2sf) =	vpush v1, $0xC;
	s6 =	sadd.f32 s6, s19  }
0xdf: {  	s7 =	sadd.f32 s7, s20;
	s20 =	spop (v2sf)  }
0xe0: {  	(v2sf) =	vpush v1, $0xD;
	s6 =	sadd.f32 s6, s20  }
0xe1: {  	s18 =	spop (v2sf);
	s7 =	sadd.f32 s7, s21  }
0xe2: {  	(v2sf) =	vpush v1, $0xE;
	s6 =	sadd.f32 s6, s18  }
0xe3: {  	s19 =	spop (v2sf);
	s7 =	sadd.f32 s7, s22  }
0xe4: {  	(v2sf) =	vpush v1, $0xF;
	s6 =	sadd.f32 s6, s19  }
0xe5: {  	s7 =	sadd.f32 s7, s23;
	s20 =	spop (v2sf)  }
0xe6: {  	s6 =	sadd.f32 s6, s20  }
0xe7: {  	s21 =	spop (v2sf);
	s7 =	sadd.f32 s7, s24  }
0xe8: {  	s6 =	sadd.f32 s6, s21  }
0xe9: {  	s22 =	spop (v2sf);
	s7 =	sadd.f32 s7, s25  }
0xea: {  	s6 =	sadd.f32 s6, s22  }
0xeb: {  	s23 =	spop (v2sf);
	s7 =	sadd.f32 s7, s26  }
0xec: {  	s6 =	sadd.f32 s6, s23  }
0xed: {  	s24 =	spop (v2sf);
	s7 =	sadd.f32 s7, s28  }
0xee: {  	s6 =	sadd.f32 s6, s24  }
0xef: {  	s25 =	spop (v2sf);
	s7 =	sadd.f32 s7, s29  }
0xf0: {  	s6 =	sadd.f32 s6, s25  }
0xf1: {  	s26 =	spop (v2sf);
	s7 =	sadd.f32 s7, s30  }
0xf2: {  	s6 =	sadd.f32 s6, s26  }
0xf3: {  	s28 =	spop (v2sf);
	s7 =	sadd.f32 s7, s31  }
0xf4: {  	s6 =	sadd.f32 s6, s28  }
0xf5: {  	s0 =	sadd.f32 s7, s0  }
0xf6: {  	s6 =	ssub.f32 s15, s6  }
.Ltmp7:
0xf7: {  	_ = 	snop;
	(pc) =	sbr.rel .LBB2_11-.Ltmp7, $4  }
0xf8: {  	s0 =	sadd.f32 s0, s1;
	s31 =	smul.f32 s6, s16  }
0xf9: {  	_ = 	snop  }
0xfa: {  	s15 =	sadd.f32 s31, s0  }
0xfb: {  	s29 =	simm.s32 $0x80;
	s30 =	simm.s32 $0x400  }
.LBB2_21:
0xfc: {  	s15 =	smov.u32 s14  }
0xfd: {  	s15 =	simm.f32 @p0 $0.0e+00  }
.LBB2_11:
0xfe: {  	s13 =	sadd.f32 $5.000000000e+00, s13;
	_ =	sdelay $0x1  }
0xff: {  	p0 =	slt.f32 s13, $5.000000000e-01;
	_ =	sdelay $0x1  }
0x100: {  	p1 =	sge.f32 @!p0 s13, s12;
	_ =	sdelay $0x1  }
0x101: {  	p1 =	por p0, p1  }
.Ltmp8:
0x102: {  	_ = 	snop;
	(pc) =	sbr.rel @p1 .LBB2_22-.Ltmp8, $1  }
0x103: {  	_ =	sdelay $0x3  }
0x104: {  	s14 =	simm.s32 @!p0 $0x0;
	s16 =	simm.f32 @!p0 $-1.000000000e+00  }
.LBB2_13:
0x105: {  	s0 =	sadd.f32 s11, s16;
	_ =	sdelay $0x1  }
0x106: {  	s31 =	simm.s32 $0x0;
	s12 =	smul.f32 $5.000000000e-01, s0  }
0x107: {  	v3 =	vld [tilespmem:s31+$0x0]  }
0x108: {  	v1 =	vimm.f32 $0.0e+00;
	s17 =	simm.s32 $0x40;
	v2 =	vmov s12  }
.LBB2_14:
0x109: {  	p0 =	sne.s32 s17, $0x89C0  }
.Ltmp9:
0x10a: {  	_ = 	snop;
	(pc) =	sbr.rel @p0 .LBB2_14-.Ltmp9, $4  }
0x10b: {  	_ = 	snop  }
0x10c: {  	s0 =	sshra.s32 s17, $0x2;
	s17 =	sadd.s32 $0x40, s17;
	vm0 =	vgt.f32 v3, v2  }
0x10d: {  	v3 =	vld [tilespmem:s0+$0x0];
	v4 =	vsel vm0, $0x3F800000, v0  }
0x10e: {  	v1 =	vadd.f32 v4, v1  }
0x10f: {  	_ =	sdelay $0x2  }
0x110: {  	vm0 =	vgt.f32 v3, v2  }
0x111: {  	v2 =	vsel vm0, $0x3F800000, v0  }
0x112: {  	v1 =	vadd.f32 v2, v1;
	_ =	sdelay $0x1  }
0x113: {  	(v2sf) =	vpush v1, $0x0  }
0x114: {  	(v2sf) =	vpush v1, $0x1;
	_ =	sdelay $0x1  }
0x115: {  	(v2sf) =	vpush v1, $0x2;
	_ =	sdelay $0x1  }
0x116: {  	(v2sf) =	vpush v1, $0x3;
	_ =	sdelay $0x1  }
0x117: {  	(v2sf) =	vpush v1, $0x4;
	_ =	sdelay $0x1  }
0x118: {  	(v2sf) =	vpush v1, $0x5;
	_ =	sdelay $0x1  }
0x119: {  	(v2sf) =	vpush v1, $0x6;
	_ =	sdelay $0x1  }
0x11a: {  	(v2sf) =	vpush v1, $0x7;
	_ =	sdelay $0x1  }
0x11b: {  	s0 =	spop (v2sf);
	(v2sf) =	vpush v1, $0x8  }
0x11c: {  	s1 =	spop (v2sf)  }
0x11d: {  	(v2sf) =	vpush v1, $0x9;
	s0 =	sadd.f32 s1, s0  }
0x11e: {  	s6 =	spop (v2sf)  }
0x11f: {  	(v2sf) =	vpush v1, $0xA;
	s0 =	sadd.f32 s0, s6  }
0x120: {  	s7 =	spop (v2sf)  }
0x121: {  	(v2sf) =	vpush v1, $0xB;
	s0 =	sadd.f32 s0, s7  }
0x122: {  	s17 =	spop (v2sf)  }
0x123: {  	(v2sf) =	vpush v1, $0xC;
	s0 =	sadd.f32 s0, s17  }
0x124: {  	s18 =	spop (v2sf)  }
0x125: {  	(v2sf) =	vpush v1, $0xD;
	s0 =	sadd.f32 s0, s18  }
0x126: {  	s19 =	spop (v2sf)  }
0x127: {  	(v2sf) =	vpush v1, $0xE;
	s0 =	sadd.f32 s0, s19  }
0x128: {  	s20 =	spop (v2sf)  }
0x129: {  	(v2sf) =	vpush v1, $0xF;
	s0 =	sadd.f32 s0, s20  }
0x12a: {  	s21 =	spop (v2sf)  }
0x12b: {  	s0 =	sadd.f32 s0, s21  }
0x12c: {  	s22 =	spop (v2sf)  }
0x12d: {  	s0 =	sadd.f32 s0, s22  }
0x12e: {  	s23 =	spop (v2sf)  }
0x12f: {  	s0 =	sadd.f32 s0, s23  }
0x130: {  	s24 =	spop (v2sf)  }
0x131: {  	s0 =	sadd.f32 s0, s24  }
0x132: {  	s25 =	spop (v2sf)  }
0x133: {  	s0 =	sadd.f32 s0, s25  }
0x134: {  	s26 =	spop (v2sf)  }
0x135: {  	s0 =	sadd.f32 s0, s26  }
0x136: {  	s28 =	spop (v2sf)  }
0x137: {  	s0 =	sadd.f32 s0, s28  }
0x138: {  	s31 =	spop (v2sf)  }
0x139: {  	s0 =	sadd.f32 s0, s31;
	_ =	sdelay $0x1  }
0x13a: {  	p0 =	sge.f32 s0, s13  }
0x13b: {  	s14 =	sadd.s32 $0x1, s14  }
0x13c: {  	s16 =	smov.u32 @p0 s12;
	s12 =	smov.u32 @p0 s11;
	p0 =	seq.s32 s14, $0x28  }
.Ltmp10:
0x13d: {  	_ = 	snop;
	(pc) =	sbr.rel @!p0 .LBB2_13-.Ltmp10, $2  }
0x13e: {  	_ =	sdelay $0x2  }
0x13f: {  	s11 =	smov.u32 s12  }
0x140: {  	s0 =	simm.s32 $0x0  }
0x141: {  	v4 =	vld [tilespmem:s0+$0x0]  }
0x142: {  	v2 =	vmov s12;
	v1 =	vimm.f32 $0.0e+00;
	s11 =	simm.s32 $0x40;
	v3 =	vimm.f32 $0.0e+00  }
.LBB2_17:
0x143: {  	p0 =	sne.s32 s11, $0x89C0  }
.Ltmp11:
0x144: {  	_ = 	snop;
	(pc) =	sbr.rel @p0 .LBB2_17-.Ltmp11, $4  }
0x145: {  	_ = 	snop  }
0x146: {  	s0 =	sshra.s32 s11, $0x2;
	s11 =	sadd.s32 $0x40, s11;
	vm0 =	vgt.f32 v4, v2  }
0x147: {  	v5 =	vsel vm0, $0x3F800000, v0;
	v6 =	vnsel vm0, $0x0, v4;
	v4 =	vld [tilespmem:s0+$0x0]  }
0x148: {  	v1 =	vadd.f32 v5, v1;
	v3 =	vadd.f32 v6, v3  }
0x149: {  	_ =	sdelay $0x2  }
0x14a: {  	vm0 =	vgt.f32 v4, v2  }
0x14b: {  	v2 =	vnsel vm0, $0x0, v4  }
0x14c: {  	v2 =	vadd.f32 v2, v3;
	_ =	sdelay $0x1  }
0x14d: {  	(v2sf) =	vpush v2, $0x0  }
0x14e: {  	(v2sf) =	vpush v2, $0x1  }
0x14f: {  	(v2sf) =	vpush v2, $0x2  }
0x150: {  	(v2sf) =	vpush v2, $0x3  }
0x151: {  	(v2sf) =	vpush v2, $0x4  }
0x152: {  	(v2sf) =	vpush v2, $0x5  }
0x153: {  	(v2sf) =	vpush v2, $0x6  }
0x154: {  	(v2sf) =	vpush v2, $0x7  }
0x155: {  	(v2sf) =	vpush v2, $0x8  }
0x156: {  	(v2sf) =	vpush v2, $0x9  }
0x157: {  	(v2sf) =	vpush v2, $0xA  }
0x158: {  	(v2sf) =	vpush v2, $0xB  }
0x159: {  	(v2sf) =	vpush v2, $0xC  }
0x15a: {  	v3 =	vsel vm0, $0x3F800000, v0;
	(v2sf) =	vpush v2, $0xD  }
0x15b: {  	v1 =	vadd.f32 v3, v1;
	(v2sf) =	vpush v2, $0xE  }
0x15c: {  	s0 =	spop (v2sf);
	(v2sf) =	vpush v2, $0xF  }
0x15d: {  	s1 =	spop (v2sf);
	(v2sf) =	vpush v1, $0x0  }
0x15e: {  	s6 =	spop (v2sf);
	(v2sf) =	vpush v1, $0x1  }
0x15f: {  	s7 =	spop (v2sf)  }
0x160: {  	(v2sf) =	vpush v1, $0x2;
	s11 =	spop (v2sf)  }
0x161: {  	s14 =	spop (v2sf)  }
0x162: {  	(v2sf) =	vpush v1, $0x3;
	s16 =	spop (v2sf)  }
0x163: {  	s17 =	spop (v2sf)  }
0x164: {  	(v2sf) =	vpush v1, $0x4;
	s18 =	spop (v2sf)  }
0x165: {  	s19 =	spop (v2sf)  }
0x166: {  	(v2sf) =	vpush v1, $0x5;
	s20 =	spop (v2sf)  }
0x167: {  	s21 =	spop (v2sf)  }
0x168: {  	(v2sf) =	vpush v1, $0x6;
	s22 =	spop (v2sf)  }
0x169: {  	s23 =	spop (v2sf)  }
0x16a: {  	(v2sf) =	vpush v1, $0x7;
	s24 =	spop (v2sf)  }
0x16b: {  	s25 =	spop (v2sf)  }
0x16c: {  	(v2sf) =	vpush v1, $0x8;
	s26 =	spop (v2sf)  }
0x16d: {  	s28 =	spop (v2sf)  }
0x16e: {  	(v2sf) =	vpush v1, $0x9;
	s26 =	sadd.f32 s28, s26  }
0x16f: {  	s31 =	spop (v2sf)  }
0x170: {  	(v2sf) =	vpush v1, $0xA;
	s26 =	sadd.f32 s26, s31  }
0x171: {  	s0 =	sadd.f32 s1, s0;
	s28 =	spop (v2sf)  }
0x172: {  	(v2sf) =	vpush v1, $0xB;
	s1 =	sadd.f32 s26, s28  }
0x173: {  	s0 =	sadd.f32 s0, s6;
	s31 =	spop (v2sf)  }
0x174: {  	(v2sf) =	vpush v1, $0xC;
	s1 =	sadd.f32 s1, s31  }
0x175: {  	s0 =	sadd.f32 s0, s7;
	s7 =	spop (v2sf)  }
0x176: {  	(v2sf) =	vpush v1, $0xD;
	s1 =	sadd.f32 s1, s7  }
0x177: {  	s0 =	sadd.f32 s0, s11;
	s11 =	spop (v2sf)  }
0x178: {  	(v2sf) =	vpush v1, $0xE;
	s1 =	sadd.f32 s1, s11  }
0x179: {  	s0 =	sadd.f32 s0, s14;
	s14 =	spop (v2sf)  }
0x17a: {  	(v2sf) =	vpush v1, $0xF;
	s1 =	sadd.f32 s1, s14  }
0x17b: {  	s0 =	sadd.f32 s0, s16;
	s16 =	spop (v2sf)  }
0x17c: {  	s1 =	sadd.f32 s1, s16  }
0x17d: {  	s0 =	sadd.f32 s0, s17;
	s17 =	spop (v2sf)  }
0x17e: {  	s1 =	sadd.f32 s1, s17  }
0x17f: {  	s0 =	sadd.f32 s0, s18;
	s18 =	spop (v2sf)  }
0x180: {  	s1 =	sadd.f32 s1, s18  }
0x181: {  	s0 =	sadd.f32 s0, s19;
	s19 =	spop (v2sf)  }
0x182: {  	s1 =	sadd.f32 s1, s19  }
0x183: {  	s0 =	sadd.f32 s0, s20;
	s20 =	spop (v2sf)  }
0x184: {  	s1 =	sadd.f32 s1, s20  }
0x185: {  	s0 =	sadd.f32 s0, s21;
	s26 =	spop (v2sf)  }
0x186: {  	s1 =	sadd.f32 s1, s26  }
0x187: {  	s0 =	sadd.f32 s0, s22;
	s28 =	spop (v2sf)  }
0x188: {  	s1 =	sadd.f32 s1, s28  }
0x189: {  	s0 =	sadd.f32 s0, s23;
	s31 =	spop (v2sf)  }
0x18a: {  	s1 =	sadd.f32 s1, s31  }
0x18b: {  	s0 =	sadd.f32 s0, s24  }
.Ltmp12:
0x18c: {  	s1 =	ssub.f32 s13, s1;
	(pc) =	sbr.rel .LBB2_19-.Ltmp12, $4  }
0x18d: {  	_ = 	snop  }
0x18e: {  	s0 =	sadd.f32 s0, s25;
	s1 =	smul.f32 s1, s12  }
0x18f: {  	_ = 	snop  }
0x190: {  	s14 =	sadd.f32 s1, s0  }
.LBB2_20:
0x191: {  	_ =	sfence.sel $0x180000  }
0x192: {  	[bflag:$0x0] =	sbarrier.arrive $0xFFFF  }
0x193: {  	_ =	strace $0x90000047  }
0x194: {  	s0 =	stileid.u32;
	[bflag:$0x2] =	sbarrier.arrive $0xFFFF  }
0x195: {  	p0 =	sne.s32 s0, $0x0;
	s0 =	rddreg [dreg:$0x1]  }
0x196: {  	s0 =	sadd.s32 @!p0 $0x100000, s0  }
0x197: {  	[sflag:s0] =	ssyncadd.tile.s32 @!p0 $0x1;
	_ =	shalt  }
.Lfunc_end2:
_tile_overlayer_lowered:
.L_overlay_start_2:
0x198: {  	(tag) =	ssettag $0x2  }
0x199: {  	s0 =	rddreg [dreg:$0x0];
	s2 =	stileid.u32  }
0x19a: {  	s1 =	rddreg [dreg:$0x1];
	p0 =	sne.s32 s2, $0x0  }
0x19b: {  	s3 =	rddreg [dreg:$0x2];
	[bflag:$0x3] =	sbarrier.arrive $0xFFFF;
	s2 =	simm.s32 @!p0 $0x1C01  }
0x19c: {  	[timem:s3], [sflag:s2] =	dma.local @!p0 [hbm:s0], s1  }
0x19d: {  	s0 =	simm.s32 @!p0 $0x1  }
0x19e: {  	_ =	swait.ge @!p0 [sflag:s0], s1  }
0x19f: {  	s1 =	ssub.s32 @!p0 $0x0, s1;
	[sflag:s0] =	ssyncset.done @!p0 $0x0  }
0x1a0: {  	[sflag:s0] =	ssyncadd.s32 @!p0 s1  }
0x1a1: {  	[bflag:$0x3] =	sbarrier.arrive $0xFFFF  }
0x1a2: {  	_ =	shalt  }

</sc_bundles>
